<compile_context>
chip_gen: v7x
topology: tpu7x:2x2x1
jax: 0.10.2.dev20260603
libtpu: 0.0.44.dev20260713+nightly
codegen_flags: <defaults>
</compile_context>

<pallas_src>
import functools

import jax
import jax.numpy as jnp
from jax import lax
from jax.experimental import pallas as pl
from jax.experimental.pallas import tpu as pltpu
from jax.experimental.pallas import tpu_sc as plsc

N_NODES = 10000
N_EDGES = 320000
D_FEAT = 128
D_EDGE = 16

NC = 2
NS = 16
NW = NC * NS
CHUNK = 128
N_CHUNKS = N_EDGES // CHUNK
N_CHUNKS_PAD = 2560
MAXC = N_CHUNKS_PAD // NW
N_ACC = 10240
ROWS_PER_TILE = N_ACC // NS

_mesh = plsc.VectorSubcoreMesh(core_axis_name="c", subcore_axis_name="s",
                               num_cores=NC, num_subcores=NS)


@functools.partial(
    pl.kernel,
    mesh=_mesh,
    out_type=jax.ShapeDtypeStruct((NC * N_ACC, D_FEAT), jnp.float32),
    scratch_types=[
        pltpu.VMEM((2, CHUNK), jnp.int32),
        pltpu.VMEM((CHUNK,), jnp.int32),
        pltpu.VMEM((2 * CHUNK, D_FEAT), jnp.float32),
        pltpu.VMEM_SHARED((N_ACC, D_FEAT), jnp.float32),
        pltpu.SemaphoreType.DMA,
    ],
)
def _sc_aggregate(nodes_hbm, sr_hbm, eproj_hbm,
                  out_n, sridx, ramp, buf, acc_n, sem):
    c = lax.axis_index("c")
    s = lax.axis_index("s")
    wid = s * NC + c
    r0 = s * ROWS_PER_TILE
    n_hop = ROWS_PER_TILE // CHUNK
    iota16 = lax.iota(jnp.int32, 16)
    zf16 = jnp.zeros((16,), jnp.float32)

    def _fill_ramp(base):
        for m in range(CHUNK // 16):
            ramp[pl.ds(m * 16, 16)] = iota16 + (base + m * 16)

    def _zero_rows(i, _):
        for m in range(D_FEAT // 16):
            buf[i, pl.ds(m * 16, 16)] = zf16
        return _
    lax.fori_loop(0, CHUNK, _zero_rows, None)

    for k in range(n_hop):
        _fill_ramp(r0 + k * CHUNK)
        pltpu.sync_copy(buf.at[pl.ds(0, CHUNK)], acc_n.at[ramp])
    plsc.subcore_barrier()

    lo = wid * N_CHUNKS // NW
    hi = (wid + 1) * N_CHUNKS // NW

    def step(j, _):
        pltpu.sync_copy(sr_hbm.at[j], sridx)
        g = pltpu.async_copy(nodes_hbm.at[sridx.at[0]],
                             buf.at[pl.ds(0, CHUNK)], sem)
        e = pltpu.async_copy(eproj_hbm.at[pl.ds(j * CHUNK, CHUNK)],
                             buf.at[pl.ds(CHUNK, CHUNK)], sem)
        g.wait()
        e.wait()
        pltpu.sync_copy(buf.at[pl.ds(0, CHUNK)], acc_n.at[sridx.at[1]],
                        add=True)
        pltpu.sync_copy(buf.at[pl.ds(CHUNK, CHUNK)], acc_n.at[sridx.at[1]],
                        add=True)
        return _

    lax.fori_loop(lo, hi, step, None)
    plsc.subcore_barrier()

    ro = c * N_ACC + r0
    for k in range(n_hop):
        _fill_ramp(r0 + k * CHUNK)
        pltpu.sync_copy(acc_n.at[ramp], buf.at[pl.ds(0, CHUNK)])
        pltpu.sync_copy(buf.at[pl.ds(0, CHUNK)], out_n.at[pl.ds(ro + k * CHUNK, CHUNK)])


_EP_R = 4000


def _eproj_body(edges_ref, We_ref, out_ref):
    out_ref[...] = jnp.dot(edges_ref[...], We_ref[...],
                           preferred_element_type=jnp.float32)


def _eproj(edges, We):
    return pl.pallas_call(
        _eproj_body,
        grid=(N_EDGES // _EP_R,),
        in_specs=[
            pl.BlockSpec((_EP_R, D_EDGE), lambda i: (i, 0)),
            pl.BlockSpec((D_EDGE, D_FEAT), lambda i: (0, 0)),
        ],
        out_specs=pl.BlockSpec((_EP_R, D_FEAT), lambda i: (i, 0)),
        out_shape=jax.ShapeDtypeStruct((N_EDGES, D_FEAT), jnp.float32),
    )(edges, We)


_R = 1000


def _mlp_body(pn_ref, nodes_ref, W1_ref, b1_ref, W2_ref, b2_ref, out_ref):
    h = pn_ref[0] + pn_ref[1] + nodes_ref[...]
    a = jnp.maximum(jnp.dot(h, W1_ref[...], preferred_element_type=jnp.float32)
                    + b1_ref[...], 0.0)
    out_ref[...] = (jnp.dot(a, W2_ref[...], preferred_element_type=jnp.float32)
                    + b2_ref[...])


def _mlp(pn, nodes, W1, b1, W2, b2):
    return pl.pallas_call(
        _mlp_body,
        grid=(N_NODES // _R,),
        in_specs=[
            pl.BlockSpec((NC, _R, D_FEAT), lambda i: (0, i, 0)),
            pl.BlockSpec((_R, D_FEAT), lambda i: (i, 0)),
            pl.BlockSpec((D_FEAT, D_FEAT), lambda i: (0, 0)),
            pl.BlockSpec((1, D_FEAT), lambda i: (0, 0)),
            pl.BlockSpec((D_FEAT, D_FEAT), lambda i: (0, 0)),
            pl.BlockSpec((1, D_FEAT), lambda i: (0, 0)),
        ],
        out_specs=pl.BlockSpec((_R, D_FEAT), lambda i: (i, 0)),
        out_shape=jax.ShapeDtypeStruct((N_NODES, D_FEAT), jnp.float32),
    )(pn, nodes, W1, b1, W2, b2)


def kernel(nodes, senders, receivers, edges, We, W1, b1, W2, b2):
    sr = jnp.stack([senders.astype(jnp.int32).reshape(N_CHUNKS, CHUNK),
                    receivers.astype(jnp.int32).reshape(N_CHUNKS, CHUNK)],
                   axis=1)
    eproj = _eproj(edges, We)
    pn = _sc_aggregate(nodes, sr, eproj)
    pn = pn.reshape(NC, N_ACC, D_FEAT)
    return _mlp(pn, nodes, W1, b1.reshape(1, D_FEAT), W2, b2.reshape(1, D_FEAT))

# --- scband reference (transcript-rebuilt; emitter-appended) ---
"""Pipeline reference for scband-gineconv-86277303042056 (READ-ONLY COPY).

The authoritative reference and input builder live on the scoring server;
editing this copy changes nothing except your own understanding.
"""

import jax, jax.numpy as jnp
import numpy as np

N_NODES = 10000
N_EDGES = 320000
D_FEAT = 128
D_EDGE = 16
EPS = 0.0


def setup_inputs(seed: int = 0) -> dict:
    key = jax.random.key(seed)
    ks = jax.random.split(key, 9)
    nodes = jax.random.normal(ks[0], (N_NODES, D_FEAT), dtype=jnp.float32)
    senders = jax.random.randint(ks[1], (N_EDGES,), 0, N_NODES, dtype=jnp.int64)
    receivers = jax.random.randint(ks[2], (N_EDGES,), 0, N_NODES, dtype=jnp.int64)
    edges = jax.random.normal(ks[3], (N_EDGES, D_EDGE), dtype=jnp.float32)
    # learned parameters
    We = jax.random.normal(ks[4], (D_EDGE, D_FEAT), dtype=jnp.float32) / np.sqrt(D_EDGE)
    W1 = jax.random.normal(ks[5], (D_FEAT, D_FEAT), dtype=jnp.float32) / np.sqrt(D_FEAT)
    b1 = jnp.zeros((D_FEAT,), dtype=jnp.float32)
    W2 = jax.random.normal(ks[6], (D_FEAT, D_FEAT), dtype=jnp.float32) / np.sqrt(D_FEAT)
    b2 = jnp.zeros((D_FEAT,), dtype=jnp.float32)
    return {"nodes": nodes, "senders": senders, "receivers": receivers, "edges": edges,
            "We": We, "W1": W1, "b1": b1, "W2": W2, "b2": b2}


def reference(nodes, senders, receivers, edges, We, W1, b1, W2, b2):
    # edge_dim is not None -> linear transform of edge features (no bias)
    e = edges @ We  # [E, D_FEAT]
    # message: nodes[senders] + transformed edge features (faithful to the code: no ReLU applied)
    messages = jnp.take(nodes, senders, axis=0) + e  # gather, SparseCore-friendly
    # sum aggregation over receivers (scatter-add)
    h = jax.ops.segment_sum(messages, receivers, num_segments=N_NODES)
    h = h + (1.0 + EPS) * nodes
    # phi: MLP([128, 128]) -> Linear, ReLU, Linear (hk.nets.MLP default relu, no final activation)
    out = jax.nn.relu(h @ W1 + b1) @ W2 + b2
    return out

if __name__ == "__main__":
    import jax
    _d = setup_inputs()
    print(jax.jit(kernel)(*tuple(_d.values())))

</pallas_src>

<mosaic_0001>
#map = affine_map<(d0, d1) -> (0, 0)>
#map1 = affine_map<(d0, d1) -> (0, 0, 0)>
module attributes {stable_mosaic.version = 14 : i64} {
  func.func @_sc_aggregate(%arg0: i32, %arg1: i32, %arg2: memref<10000x128xf32, #tpu.memory_space<hbm>>, %arg3: memref<2500x2x128xi32, #tpu.memory_space<hbm>>, %arg4: memref<320000x128xf32, #tpu.memory_space<hbm>>, %arg5: memref<20480x128xf32, #tpu.memory_space<hbm>>, %arg6: memref<2x128xi32, #tpu.memory_space<vmem>>, %arg7: memref<128xi32, #tpu.memory_space<vmem>>, %arg8: memref<256x128xf32, #tpu.memory_space<vmem>>, %arg9: memref<10240x128xf32, #tpu.memory_space<vmem_shared>>, %arg10: memref<!tpu.dma_semaphore, #tpu.memory_space<semaphore_mem>>) attributes {dimension_semantics = [#tpu.dimension_semantics<core_parallel>, #tpu.dimension_semantics<subcore_parallel>], iteration_bounds = array<i64: 2, 16>, scalar_prefetch = 0 : i64, scratch_operands = 5 : i64, tpu.core_type = #tpu.core_type<sc_vector_subcore>, window_params = [{transform_indices = #map}, {transform_indices = #map1}, {transform_indices = #map}, {transform_indices = #map}]} {
    %mul3A = arith.constant 2 : i32
    %mul3A_0 = arith.muli %arg1, %mul3A : i32
    %add3A = arith.addi %mul3A_0, %arg0 : i32
    %mul3A_1 = arith.constant 640 : i32
    %mul3A_2 = arith.muli %arg1, %mul3A_1 : i32
    %iota3A = tpu.iota {dimensions = array<i32: 0>} : vector<16xi32>
    %broadcast_in_dim3A = arith.constant 0.000000e+00 : f32
    %broadcast_in_dim3A_3 = vector.broadcast %broadcast_in_dim3A : f32 to vector<16xf32>
    %scan3A = arith.constant 0 : i32
    %scan3A_4 = arith.constant 128 : i32
    %scan3A_5 = arith.addi %scan3A, %scan3A_4 : i32
    %scan3A_6 = arith.constant 1 : i32
    scf.for %scan3A_734 = %scan3A to %scan3A_5 step %scan3A_6  : i32 {
      %swap3A_735 = arith.index_cast %scan3A_734 : i32 to index
      %swap3A_736 = arith.constant 0 : index
      %swap3A_737 = tpu.vector_load %arg8[%swap3A_735, %swap3A_736] {strides = array<i32>} : memref<256x128xf32, #tpu.memory_space<vmem>>, vector<1x16xf32>,
      %swap3A_738 = vector.shape_cast %swap3A_737 : vector<1x16xf32> to vector<16xf32>
      %swap3A_739 = vector.shape_cast %broadcast_in_dim3A_3 : vector<16xf32> to vector<1x16xf32>
      tpu.vector_store %arg8[%swap3A_735, %swap3A_736], %swap3A_739 {strides = array<i32>} : memref<256x128xf32, #tpu.memory_space<vmem>>, vector<1x16xf32>,
      %swap3A_740 = arith.index_cast %scan3A_734 : i32 to index
      %swap3A_741 = arith.constant 16 : index
      %swap3A_742 = tpu.vector_load %arg8[%swap3A_740, %swap3A_741] {strides = array<i32>} : memref<256x128xf32, #tpu.memory_space<vmem>>, vector<1x16xf32>,
      %swap3A_743 = vector.shape_cast %swap3A_742 : vector<1x16xf32> to vector<16xf32>
      %swap3A_744 = vector.shape_cast %broadcast_in_dim3A_3 : vector<16xf32> to vector<1x16xf32>
      tpu.vector_store %arg8[%swap3A_740, %swap3A_741], %swap3A_744 {strides = array<i32>} : memref<256x128xf32, #tpu.memory_space<vmem>>, vector<1x16xf32>,
      %swap3A_745 = arith.index_cast %scan3A_734 : i32 to index
      %swap3A_746 = arith.constant 32 : index
      %swap3A_747 = tpu.vector_load %arg8[%swap3A_745, %swap3A_746] {strides = array<i32>} : memref<256x128xf32, #tpu.memory_space<vmem>>, vector<1x16xf32>,
      %swap3A_748 = vector.shape_cast %swap3A_747 : vector<1x16xf32> to vector<16xf32>
      %swap3A_749 = vector.shape_cast %broadcast_in_dim3A_3 : vector<16xf32> to vector<1x16xf32>
      tpu.vector_store %arg8[%swap3A_745, %swap3A_746], %swap3A_749 {strides = array<i32>} : memref<256x128xf32, #tpu.memory_space<vmem>>, vector<1x16xf32>,
      %swap3A_750 = arith.index_cast %scan3A_734 : i32 to index
      %swap3A_751 = arith.constant 48 : index
      %swap3A_752 = tpu.vector_load %arg8[%swap3A_750, %swap3A_751] {strides = array<i32>} : memref<256x128xf32, #tpu.memory_space<vmem>>, vector<1x16xf32>,
      %swap3A_753 = vector.shape_cast %swap3A_752 : vector<1x16xf32> to vector<16xf32>
      %swap3A_754 = vector.shape_cast %broadcast_in_dim3A_3 : vector<16xf32> to vector<1x16xf32>
      tpu.vector_store %arg8[%swap3A_750, %swap3A_751], %swap3A_754 {strides = array<i32>} : memref<256x128xf32, #tpu.memory_space<vmem>>, vector<1x16xf32>,
      %swap3A_755 = arith.index_cast %scan3A_734 : i32 to index
      %swap3A_756 = arith.constant 64 : index
      %swap3A_757 = tpu.vector_load %arg8[%swap3A_755, %swap3A_756] {strides = array<i32>} : memref<256x128xf32, #tpu.memory_space<vmem>>, vector<1x16xf32>,
      %swap3A_758 = vector.shape_cast %swap3A_757 : vector<1x16xf32> to vector<16xf32>
      %swap3A_759 = vector.shape_cast %broadcast_in_dim3A_3 : vector<16xf32> to vector<1x16xf32>
      tpu.vector_store %arg8[%swap3A_755, %swap3A_756], %swap3A_759 {strides = array<i32>} : memref<256x128xf32, #tpu.memory_space<vmem>>, vector<1x16xf32>,
      %swap3A_760 = arith.index_cast %scan3A_734 : i32 to index
      %swap3A_761 = arith.constant 80 : index
      %swap3A_762 = tpu.vector_load %arg8[%swap3A_760, %swap3A_761] {strides = array<i32>} : memref<256x128xf32, #tpu.memory_space<vmem>>, vector<1x16xf32>,
      %swap3A_763 = vector.shape_cast %swap3A_762 : vector<1x16xf32> to vector<16xf32>
      %swap3A_764 = vector.shape_cast %broadcast_in_dim3A_3 : vector<16xf32> to vector<1x16xf32>
      tpu.vector_store %arg8[%swap3A_760, %swap3A_761], %swap3A_764 {strides = array<i32>} : memref<256x128xf32, #tpu.memory_space<vmem>>, vector<1x16xf32>,
      %swap3A_765 = arith.index_cast %scan3A_734 : i32 to index
      %swap3A_766 = arith.constant 96 : index
      %swap3A_767 = tpu.vector_load %arg8[%swap3A_765, %swap3A_766] {strides = array<i32>} : memref<256x128xf32, #tpu.memory_space<vmem>>, vector<1x16xf32>,
      %swap3A_768 = vector.shape_cast %swap3A_767 : vector<1x16xf32> to vector<16xf32>
      %swap3A_769 = vector.shape_cast %broadcast_in_dim3A_3 : vector<16xf32> to vector<1x16xf32>
      tpu.vector_store %arg8[%swap3A_765, %swap3A_766], %swap3A_769 {strides = array<i32>} : memref<256x128xf32, #tpu.memory_space<vmem>>, vector<1x16xf32>,
      %swap3A_770 = arith.index_cast %scan3A_734 : i32 to index
      %swap3A_771 = arith.constant 112 : index
      %swap3A_772 = tpu.vector_load %arg8[%swap3A_770, %swap3A_771] {strides = array<i32>} : memref<256x128xf32, #tpu.memory_space<vmem>>, vector<1x16xf32>,
      %swap3A_773 = vector.shape_cast %swap3A_772 : vector<1x16xf32> to vector<16xf32>
      %swap3A_774 = vector.shape_cast %broadcast_in_dim3A_3 : vector<16xf32> to vector<1x16xf32>
      tpu.vector_store %arg8[%swap3A_770, %swap3A_771], %swap3A_774 {strides = array<i32>} : memref<256x128xf32, #tpu.memory_space<vmem>>, vector<1x16xf32>,
    }
    %scan3A_7 = arith.constant 128 : i32
    %add3A_8 = arith.constant 0 : i32
    %add3A_9 = arith.addi %mul3A_2, %add3A_8 : i32
    %add3A_10 = arith.constant 0 : i32
    %add3A_11 = arith.addi %add3A_9, %add3A_10 : i32
    %add3A_12 = vector.broadcast %add3A_11 : i32 to vector<16xi32>
    %add3A_13 = arith.addi %iota3A, %add3A_12 : vector<16xi32>
    %swap3A = arith.constant 0 : index
    %swap3A_14 = tpu.vector_load %arg7[%swap3A] {strides = array<i32>} : memref<128xi32, #tpu.memory_space<vmem>>, vector<16xi32>,
    %swap3A_15 = vector.shape_cast %swap3A_14 : vector<16xi32> to vector<16xi32>
    %swap3A_16 = vector.shape_cast %add3A_13 : vector<16xi32> to vector<16xi32>
    tpu.vector_store %arg7[%swap3A], %swap3A_16 {strides = array<i32>} : memref<128xi32, #tpu.memory_space<vmem>>, vector<16xi32>,
    %add3A_17 = arith.constant 16 : i32
    %add3A_18 = arith.addi %add3A_9, %add3A_17 : i32
    %add3A_19 = vector.broadcast %add3A_18 : i32 to vector<16xi32>
    %add3A_20 = arith.addi %iota3A, %add3A_19 : vector<16xi32>
    %swap3A_21 = arith.constant 16 : index
    %swap3A_22 = tpu.vector_load %arg7[%swap3A_21] {strides = array<i32>} : memref<128xi32, #tpu.memory_space<vmem>>, vector<16xi32>,
    %swap3A_23 = vector.shape_cast %swap3A_22 : vector<16xi32> to vector<16xi32>
    %swap3A_24 = vector.shape_cast %add3A_20 : vector<16xi32> to vector<16xi32>
    tpu.vector_store %arg7[%swap3A_21], %swap3A_24 {strides = array<i32>} : memref<128xi32, #tpu.memory_space<vmem>>, vector<16xi32>,
    %add3A_25 = arith.constant 32 : i32
    %add3A_26 = arith.addi %add3A_9, %add3A_25 : i32
    %add3A_27 = vector.broadcast %add3A_26 : i32 to vector<16xi32>
    %add3A_28 = arith.addi %iota3A, %add3A_27 : vector<16xi32>
    %swap3A_29 = arith.constant 32 : index
    %swap3A_30 = tpu.vector_load %arg7[%swap3A_29] {strides = array<i32>} : memref<128xi32, #tpu.memory_space<vmem>>, vector<16xi32>,
    %swap3A_31 = vector.shape_cast %swap3A_30 : vector<16xi32> to vector<16xi32>
    %swap3A_32 = vector.shape_cast %add3A_28 : vector<16xi32> to vector<16xi32>
    tpu.vector_store %arg7[%swap3A_29], %swap3A_32 {strides = array<i32>} : memref<128xi32, #tpu.memory_space<vmem>>, vector<16xi32>,
    %add3A_33 = arith.constant 48 : i32
    %add3A_34 = arith.addi %add3A_9, %add3A_33 : i32
    %add3A_35 = vector.broadcast %add3A_34 : i32 to vector<16xi32>
    %add3A_36 = arith.addi %iota3A, %add3A_35 : vector<16xi32>
    %swap3A_37 = arith.constant 48 : index
    %swap3A_38 = tpu.vector_load %arg7[%swap3A_37] {strides = array<i32>} : memref<128xi32, #tpu.memory_space<vmem>>, vector<16xi32>,
    %swap3A_39 = vector.shape_cast %swap3A_38 : vector<16xi32> to vector<16xi32>
    %swap3A_40 = vector.shape_cast %add3A_36 : vector<16xi32> to vector<16xi32>
    tpu.vector_store %arg7[%swap3A_37], %swap3A_40 {strides = array<i32>} : memref<128xi32, #tpu.memory_space<vmem>>, vector<16xi32>,
    %add3A_41 = arith.constant 64 : i32
    %add3A_42 = arith.addi %add3A_9, %add3A_41 : i32
    %add3A_43 = vector.broadcast %add3A_42 : i32 to vector<16xi32>
    %add3A_44 = arith.addi %iota3A, %add3A_43 : vector<16xi32>
    %swap3A_45 = arith.constant 64 : index
    %swap3A_46 = tpu.vector_load %arg7[%swap3A_45] {strides = array<i32>} : memref<128xi32, #tpu.memory_space<vmem>>, vector<16xi32>,
    %swap3A_47 = vector.shape_cast %swap3A_46 : vector<16xi32> to vector<16xi32>
    %swap3A_48 = vector.shape_cast %add3A_44 : vector<16xi32> to vector<16xi32>
    tpu.vector_store %arg7[%swap3A_45], %swap3A_48 {strides = array<i32>} : memref<128xi32, #tpu.memory_space<vmem>>, vector<16xi32>,
    %add3A_49 = arith.constant 80 : i32
    %add3A_50 = arith.addi %add3A_9, %add3A_49 : i32
    %add3A_51 = vector.broadcast %add3A_50 : i32 to vector<16xi32>
    %add3A_52 = arith.addi %iota3A, %add3A_51 : vector<16xi32>
    %swap3A_53 = arith.constant 80 : index
    %swap3A_54 = tpu.vector_load %arg7[%swap3A_53] {strides = array<i32>} : memref<128xi32, #tpu.memory_space<vmem>>, vector<16xi32>,
    %swap3A_55 = vector.shape_cast %swap3A_54 : vector<16xi32> to vector<16xi32>
    %swap3A_56 = vector.shape_cast %add3A_52 : vector<16xi32> to vector<16xi32>
    tpu.vector_store %arg7[%swap3A_53], %swap3A_56 {strides = array<i32>} : memref<128xi32, #tpu.memory_space<vmem>>, vector<16xi32>,
    %add3A_57 = arith.constant 96 : i32
    %add3A_58 = arith.addi %add3A_9, %add3A_57 : i32
    %add3A_59 = vector.broadcast %add3A_58 : i32 to vector<16xi32>
    %add3A_60 = arith.addi %iota3A, %add3A_59 : vector<16xi32>
    %swap3A_61 = arith.constant 96 : index
    %swap3A_62 = tpu.vector_load %arg7[%swap3A_61] {strides = array<i32>} : memref<128xi32, #tpu.memory_space<vmem>>, vector<16xi32>,
    %swap3A_63 = vector.shape_cast %swap3A_62 : vector<16xi32> to vector<16xi32>
    %swap3A_64 = vector.shape_cast %add3A_60 : vector<16xi32> to vector<16xi32>
    tpu.vector_store %arg7[%swap3A_61], %swap3A_64 {strides = array<i32>} : memref<128xi32, #tpu.memory_space<vmem>>, vector<16xi32>,
    %add3A_65 = arith.constant 112 : i32
    %add3A_66 = arith.addi %add3A_9, %add3A_65 : i32
    %add3A_67 = vector.broadcast %add3A_66 : i32 to vector<16xi32>
    %add3A_68 = arith.addi %iota3A, %add3A_67 : vector<16xi32>
    %swap3A_69 = arith.constant 112 : index
    %swap3A_70 = tpu.vector_load %arg7[%swap3A_69] {strides = array<i32>} : memref<128xi32, #tpu.memory_space<vmem>>, vector<16xi32>,
    %swap3A_71 = vector.shape_cast %swap3A_70 : vector<16xi32> to vector<16xi32>
    %swap3A_72 = vector.shape_cast %add3A_68 : vector<16xi32> to vector<16xi32>
    tpu.vector_store %arg7[%swap3A_69], %swap3A_72 {strides = array<i32>} : memref<128xi32, #tpu.memory_space<vmem>>, vector<16xi32>,
    "tpu.region"() ({
      %run_scoped3A = tpu.sem_alloc : memref<!tpu.dma_semaphore, #tpu.memory_space<semaphore_mem>>
      %dma_start3A = arith.constant 0 : i32
      %dma_start3A_734 = arith.constant 0 : i32
      %dma_start3A_735 = tpu.memref_slice %arg8[%dma_start3A, %dma_start3A_734] : memref<256x128xf32, #tpu.memory_space<vmem>> -> memref<128x128xf32, #tpu.memory_space<vmem>>
      %dma_start3A_736 = arith.constant 0 : i32
      %dma_start3A_737 = arith.constant 0 : i32
      %dma_start3A_738 = tpu.memref_slice %arg9[%dma_start3A_736, %dma_start3A_737] : memref<10240x128xf32, #tpu.memory_space<vmem_shared>> -> memref<10240x128xf32, #tpu.memory_space<vmem_shared>>
      tpu.enqueue_indirect_dma source(%dma_start3A_735 : memref<128x128xf32, #tpu.memory_space<vmem>>) target(%dma_start3A_738 : memref<10240x128xf32, #tpu.memory_space<vmem_shared>>) offsets(%arg7 : memref<128xi32, #tpu.memory_space<vmem>>) semaphore(%run_scoped3A : memref<!tpu.dma_semaphore, #tpu.memory_space<semaphore_mem>>)
      %dma_wait3A = arith.constant 0 : i32
      %dma_wait3A_739 = arith.constant 0 : i32
      %dma_wait3A_740 = tpu.memref_slice %arg8[%dma_wait3A, %dma_wait3A_739] : memref<256x128xf32, #tpu.memory_space<vmem>> -> memref<128x128xf32, #tpu.memory_space<vmem>>
      %dma_wait3A_741 = arith.constant 0 : i32
      %dma_wait3A_742 = arith.constant 0 : i32
      %dma_wait3A_743 = tpu.memref_slice %arg9[%dma_wait3A_741, %dma_wait3A_742] : memref<10240x128xf32, #tpu.memory_space<vmem_shared>> -> memref<10240x128xf32, #tpu.memory_space<vmem_shared>>
      tpu.wait_indirect_dma semaphore(%run_scoped3A : memref<!tpu.dma_semaphore, #tpu.memory_space<semaphore_mem>>) src(%dma_wait3A_740 : memref<128x128xf32, #tpu.memory_space<vmem>>) dst(%dma_wait3A_743 : memref<10240x128xf32, #tpu.memory_space<vmem_shared>>)
      tpu.yield
    }) : () -> ()
    %add3A_73 = arith.constant 128 : i32
    %add3A_74 = arith.addi %mul3A_2, %add3A_73 : i32
    %add3A_75 = arith.constant 0 : i32
    %add3A_76 = arith.addi %add3A_74, %add3A_75 : i32
    %add3A_77 = vector.broadcast %add3A_76 : i32 to vector<16xi32>
    %add3A_78 = arith.addi %iota3A, %add3A_77 : vector<16xi32>
    %swap3A_79 = arith.constant 0 : index
    %swap3A_80 = tpu.vector_load %arg7[%swap3A_79] {strides = array<i32>} : memref<128xi32, #tpu.memory_space<vmem>>, vector<16xi32>,
    %swap3A_81 = vector.shape_cast %swap3A_80 : vector<16xi32> to vector<16xi32>
    %swap3A_82 = vector.shape_cast %add3A_78 : vector<16xi32> to vector<16xi32>
    tpu.vector_store %arg7[%swap3A_79], %swap3A_82 {strides = array<i32>} : memref<128xi32, #tpu.memory_space<vmem>>, vector<16xi32>,
    %add3A_83 = arith.constant 16 : i32
    %add3A_84 = arith.addi %add3A_74, %add3A_83 : i32
    %add3A_85 = vector.broadcast %add3A_84 : i32 to vector<16xi32>
    %add3A_86 = arith.addi %iota3A, %add3A_85 : vector<16xi32>
    %swap3A_87 = arith.constant 16 : index
    %swap3A_88 = tpu.vector_load %arg7[%swap3A_87] {strides = array<i32>} : memref<128xi32, #tpu.memory_space<vmem>>, vector<16xi32>,
    %swap3A_89 = vector.shape_cast %swap3A_88 : vector<16xi32> to vector<16xi32>
    %swap3A_90 = vector.shape_cast %add3A_86 : vector<16xi32> to vector<16xi32>
    tpu.vector_store %arg7[%swap3A_87], %swap3A_90 {strides = array<i32>} : memref<128xi32, #tpu.memory_space<vmem>>, vector<16xi32>,
    %add3A_91 = arith.constant 32 : i32
    %add3A_92 = arith.addi %add3A_74, %add3A_91 : i32
    %add3A_93 = vector.broadcast %add3A_92 : i32 to vector<16xi32>
    %add3A_94 = arith.addi %iota3A, %add3A_93 : vector<16xi32>
    %swap3A_95 = arith.constant 32 : index
    %swap3A_96 = tpu.vector_load %arg7[%swap3A_95] {strides = array<i32>} : memref<128xi32, #tpu.memory_space<vmem>>, vector<16xi32>,
    %swap3A_97 = vector.shape_cast %swap3A_96 : vector<16xi32> to vector<16xi32>
    %swap3A_98 = vector.shape_cast %add3A_94 : vector<16xi32> to vector<16xi32>
    tpu.vector_store %arg7[%swap3A_95], %swap3A_98 {strides = array<i32>} : memref<128xi32, #tpu.memory_space<vmem>>, vector<16xi32>,
    %add3A_99 = arith.constant 48 : i32
    %add3A_100 = arith.addi %add3A_74, %add3A_99 : i32
    %add3A_101 = vector.broadcast %add3A_100 : i32 to vector<16xi32>
    %add3A_102 = arith.addi %iota3A, %add3A_101 : vector<16xi32>
    %swap3A_103 = arith.constant 48 : index
    %swap3A_104 = tpu.vector_load %arg7[%swap3A_103] {strides = array<i32>} : memref<128xi32, #tpu.memory_space<vmem>>, vector<16xi32>,
    %swap3A_105 = vector.shape_cast %swap3A_104 : vector<16xi32> to vector<16xi32>
    %swap3A_106 = vector.shape_cast %add3A_102 : vector<16xi32> to vector<16xi32>
    tpu.vector_store %arg7[%swap3A_103], %swap3A_106 {strides = array<i32>} : memref<128xi32, #tpu.memory_space<vmem>>, vector<16xi32>,
    %add3A_107 = arith.constant 64 : i32
    %add3A_108 = arith.addi %add3A_74, %add3A_107 : i32
    %add3A_109 = vector.broadcast %add3A_108 : i32 to vector<16xi32>
    %add3A_110 = arith.addi %iota3A, %add3A_109 : vector<16xi32>
    %swap3A_111 = arith.constant 64 : index
    %swap3A_112 = tpu.vector_load %arg7[%swap3A_111] {strides = array<i32>} : memref<128xi32, #tpu.memory_space<vmem>>, vector<16xi32>,
    %swap3A_113 = vector.shape_cast %swap3A_112 : vector<16xi32> to vector<16xi32>
    %swap3A_114 = vector.shape_cast %add3A_110 : vector<16xi32> to vector<16xi32>
    tpu.vector_store %arg7[%swap3A_111], %swap3A_114 {strides = array<i32>} : memref<128xi32, #tpu.memory_space<vmem>>, vector<16xi32>,
    %add3A_115 = arith.constant 80 : i32
    %add3A_116 = arith.addi %add3A_74, %add3A_115 : i32
    %add3A_117 = vector.broadcast %add3A_116 : i32 to vector<16xi32>
    %add3A_118 = arith.addi %iota3A, %add3A_117 : vector<16xi32>
    %swap3A_119 = arith.constant 80 : index
    %swap3A_120 = tpu.vector_load %arg7[%swap3A_119] {strides = array<i32>} : memref<128xi32, #tpu.memory_space<vmem>>, vector<16xi32>,
    %swap3A_121 = vector.shape_cast %swap3A_120 : vector<16xi32> to vector<16xi32>
    %swap3A_122 = vector.shape_cast %add3A_118 : vector<16xi32> to vector<16xi32>
    tpu.vector_store %arg7[%swap3A_119], %swap3A_122 {strides = array<i32>} : memref<128xi32, #tpu.memory_space<vmem>>, vector<16xi32>,
    %add3A_123 = arith.constant 96 : i32
    %add3A_124 = arith.addi %add3A_74, %add3A_123 : i32
    %add3A_125 = vector.broadcast %add3A_124 : i32 to vector<16xi32>
    %add3A_126 = arith.addi %iota3A, %add3A_125 : vector<16xi32>
    %swap3A_127 = arith.constant 96 : index
    %swap3A_128 = tpu.vector_load %arg7[%swap3A_127] {strides = array<i32>} : memref<128xi32, #tpu.memory_space<vmem>>, vector<16xi32>,
    %swap3A_129 = vector.shape_cast %swap3A_128 : vector<16xi32> to vector<16xi32>
    %swap3A_130 = vector.shape_cast %add3A_126 : vector<16xi32> to vector<16xi32>
    tpu.vector_store %arg7[%swap3A_127], %swap3A_130 {strides = array<i32>} : memref<128xi32, #tpu.memory_space<vmem>>, vector<16xi32>,
    %add3A_131 = arith.constant 112 : i32
    %add3A_132 = arith.addi %add3A_74, %add3A_131 : i32
    %add3A_133 = vector.broadcast %add3A_132 : i32 to vector<16xi32>
    %add3A_134 = arith.addi %iota3A, %add3A_133 : vector<16xi32>
    %swap3A_135 = arith.constant 112 : index
    %swap3A_136 = tpu.vector_load %arg7[%swap3A_135] {strides = array<i32>} : memref<128xi32, #tpu.memory_space<vmem>>, vector<16xi32>,
    %swap3A_137 = vector.shape_cast %swap3A_136 : vector<16xi32> to vector<16xi32>
    %swap3A_138 = vector.shape_cast %add3A_134 : vector<16xi32> to vector<16xi32>
    tpu.vector_store %arg7[%swap3A_135], %swap3A_138 {strides = array<i32>} : memref<128xi32, #tpu.memory_space<vmem>>, vector<16xi32>,
    "tpu.region"() ({
      %run_scoped3A = tpu.sem_alloc : memref<!tpu.dma_semaphore, #tpu.memory_space<semaphore_mem>>
      %dma_start3A = arith.constant 0 : i32
      %dma_start3A_734 = arith.constant 0 : i32
      %dma_start3A_735 = tpu.memref_slice %arg8[%dma_start3A, %dma_start3A_734] : memref<256x128xf32, #tpu.memory_space<vmem>> -> memref<128x128xf32, #tpu.memory_space<vmem>>
      %dma_start3A_736 = arith.constant 0 : i32
      %dma_start3A_737 = arith.constant 0 : i32
      %dma_start3A_738 = tpu.memref_slice %arg9[%dma_start3A_736, %dma_start3A_737] : memref<10240x128xf32, #tpu.memory_space<vmem_shared>> -> memref<10240x128xf32, #tpu.memory_space<vmem_shared>>
      tpu.enqueue_indirect_dma source(%dma_start3A_735 : memref<128x128xf32, #tpu.memory_space<vmem>>) target(%dma_start3A_738 : memref<10240x128xf32, #tpu.memory_space<vmem_shared>>) offsets(%arg7 : memref<128xi32, #tpu.memory_space<vmem>>) semaphore(%run_scoped3A : memref<!tpu.dma_semaphore, #tpu.memory_space<semaphore_mem>>)
      %dma_wait3A = arith.constant 0 : i32
      %dma_wait3A_739 = arith.constant 0 : i32
      %dma_wait3A_740 = tpu.memref_slice %arg8[%dma_wait3A, %dma_wait3A_739] : memref<256x128xf32, #tpu.memory_space<vmem>> -> memref<128x128xf32, #tpu.memory_space<vmem>>
      %dma_wait3A_741 = arith.constant 0 : i32
      %dma_wait3A_742 = arith.constant 0 : i32
      %dma_wait3A_743 = tpu.memref_slice %arg9[%dma_wait3A_741, %dma_wait3A_742] : memref<10240x128xf32, #tpu.memory_space<vmem_shared>> -> memref<10240x128xf32, #tpu.memory_space<vmem_shared>>
      tpu.wait_indirect_dma semaphore(%run_scoped3A : memref<!tpu.dma_semaphore, #tpu.memory_space<semaphore_mem>>) src(%dma_wait3A_740 : memref<128x128xf32, #tpu.memory_space<vmem>>) dst(%dma_wait3A_743 : memref<10240x128xf32, #tpu.memory_space<vmem_shared>>)
      tpu.yield
    }) : () -> ()
    %add3A_139 = arith.constant 256 : i32
    %add3A_140 = arith.addi %mul3A_2, %add3A_139 : i32
    %add3A_141 = arith.constant 0 : i32
    %add3A_142 = arith.addi %add3A_140, %add3A_141 : i32
    %add3A_143 = vector.broadcast %add3A_142 : i32 to vector<16xi32>
    %add3A_144 = arith.addi %iota3A, %add3A_143 : vector<16xi32>
    %swap3A_145 = arith.constant 0 : index
    %swap3A_146 = tpu.vector_load %arg7[%swap3A_145] {strides = array<i32>} : memref<128xi32, #tpu.memory_space<vmem>>, vector<16xi32>,
    %swap3A_147 = vector.shape_cast %swap3A_146 : vector<16xi32> to vector<16xi32>
    %swap3A_148 = vector.shape_cast %add3A_144 : vector<16xi32> to vector<16xi32>
    tpu.vector_store %arg7[%swap3A_145], %swap3A_148 {strides = array<i32>} : memref<128xi32, #tpu.memory_space<vmem>>, vector<16xi32>,
    %add3A_149 = arith.constant 16 : i32
    %add3A_150 = arith.addi %add3A_140, %add3A_149 : i32
    %add3A_151 = vector.broadcast %add3A_150 : i32 to vector<16xi32>
    %add3A_152 = arith.addi %iota3A, %add3A_151 : vector<16xi32>
    %swap3A_153 = arith.constant 16 : index
    %swap3A_154 = tpu.vector_load %arg7[%swap3A_153] {strides = array<i32>} : memref<128xi32, #tpu.memory_space<vmem>>, vector<16xi32>,
    %swap3A_155 = vector.shape_cast %swap3A_154 : vector<16xi32> to vector<16xi32>
    %swap3A_156 = vector.shape_cast %add3A_152 : vector<16xi32> to vector<16xi32>
    tpu.vector_store %arg7[%swap3A_153], %swap3A_156 {strides = array<i32>} : memref<128xi32, #tpu.memory_space<vmem>>, vector<16xi32>,
    %add3A_157 = arith.constant 32 : i32
    %add3A_158 = arith.addi %add3A_140, %add3A_157 : i32
    %add3A_159 = vector.broadcast %add3A_158 : i32 to vector<16xi32>
    %add3A_160 = arith.addi %iota3A, %add3A_159 : vector<16xi32>
    %swap3A_161 = arith.constant 32 : index
    %swap3A_162 = tpu.vector_load %arg7[%swap3A_161] {strides = array<i32>} : memref<128xi32, #tpu.memory_space<vmem>>, vector<16xi32>,
    %swap3A_163 = vector.shape_cast %swap3A_162 : vector<16xi32> to vector<16xi32>
    %swap3A_164 = vector.shape_cast %add3A_160 : vector<16xi32> to vector<16xi32>
    tpu.vector_store %arg7[%swap3A_161], %swap3A_164 {strides = array<i32>} : memref<128xi32, #tpu.memory_space<vmem>>, vector<16xi32>,
    %add3A_165 = arith.constant 48 : i32
    %add3A_166 = arith.addi %add3A_140, %add3A_165 : i32
    %add3A_167 = vector.broadcast %add3A_166 : i32 to vector<16xi32>
    %add3A_168 = arith.addi %iota3A, %add3A_167 : vector<16xi32>
    %swap3A_169 = arith.constant 48 : index
    %swap3A_170 = tpu.vector_load %arg7[%swap3A_169] {strides = array<i32>} : memref<128xi32, #tpu.memory_space<vmem>>, vector<16xi32>,
    %swap3A_171 = vector.shape_cast %swap3A_170 : vector<16xi32> to vector<16xi32>
    %swap3A_172 = vector.shape_cast %add3A_168 : vector<16xi32> to vector<16xi32>
    tpu.vector_store %arg7[%swap3A_169], %swap3A_172 {strides = array<i32>} : memref<128xi32, #tpu.memory_space<vmem>>, vector<16xi32>,
    %add3A_173 = arith.constant 64 : i32
    %add3A_174 = arith.addi %add3A_140, %add3A_173 : i32
    %add3A_175 = vector.broadcast %add3A_174 : i32 to vector<16xi32>
    %add3A_176 = arith.addi %iota3A, %add3A_175 : vector<16xi32>
    %swap3A_177 = arith.constant 64 : index
    %swap3A_178 = tpu.vector_load %arg7[%swap3A_177] {strides = array<i32>} : memref<128xi32, #tpu.memory_space<vmem>>, vector<16xi32>,
    %swap3A_179 = vector.shape_cast %swap3A_178 : vector<16xi32> to vector<16xi32>
    %swap3A_180 = vector.shape_cast %add3A_176 : vector<16xi32> to vector<16xi32>
    tpu.vector_store %arg7[%swap3A_177], %swap3A_180 {strides = array<i32>} : memref<128xi32, #tpu.memory_space<vmem>>, vector<16xi32>,
    %add3A_181 = arith.constant 80 : i32
    %add3A_182 = arith.addi %add3A_140, %add3A_181 : i32
    %add3A_183 = vector.broadcast %add3A_182 : i32 to vector<16xi32>
    %add3A_184 = arith.addi %iota3A, %add3A_183 : vector<16xi32>
    %swap3A_185 = arith.constant 80 : index
    %swap3A_186 = tpu.vector_load %arg7[%swap3A_185] {strides = array<i32>} : memref<128xi32, #tpu.memory_space<vmem>>, vector<16xi32>,
    %swap3A_187 = vector.shape_cast %swap3A_186 : vector<16xi32> to vector<16xi32>
    %swap3A_188 = vector.shape_cast %add3A_184 : vector<16xi32> to vector<16xi32>
    tpu.vector_store %arg7[%swap3A_185], %swap3A_188 {strides = array<i32>} : memref<128xi32, #tpu.memory_space<vmem>>, vector<16xi32>,
    %add3A_189 = arith.constant 96 : i32
    %add3A_190 = arith.addi %add3A_140, %add3A_189 : i32
    %add3A_191 = vector.broadcast %add3A_190 : i32 to vector<16xi32>
    %add3A_192 = arith.addi %iota3A, %add3A_191 : vector<16xi32>
    %swap3A_193 = arith.constant 96 : index
    %swap3A_194 = tpu.vector_load %arg7[%swap3A_193] {strides = array<i32>} : memref<128xi32, #tpu.memory_space<vmem>>, vector<16xi32>,
    %swap3A_195 = vector.shape_cast %swap3A_194 : vector<16xi32> to vector<16xi32>
    %swap3A_196 = vector.shape_cast %add3A_192 : vector<16xi32> to vector<16xi32>
    tpu.vector_store %arg7[%swap3A_193], %swap3A_196 {strides = array<i32>} : memref<128xi32, #tpu.memory_space<vmem>>, vector<16xi32>,
    %add3A_197 = arith.constant 112 : i32
    %add3A_198 = arith.addi %add3A_140, %add3A_197 : i32
    %add3A_199 = vector.broadcast %add3A_198 : i32 to vector<16xi32>
    %add3A_200 = arith.addi %iota3A, %add3A_199 : vector<16xi32>
    %swap3A_201 = arith.constant 112 : index
    %swap3A_202 = tpu.vector_load %arg7[%swap3A_201] {strides = array<i32>} : memref<128xi32, #tpu.memory_space<vmem>>, vector<16xi32>,
    %swap3A_203 = vector.shape_cast %swap3A_202 : vector<16xi32> to vector<16xi32>
    %swap3A_204 = vector.shape_cast %add3A_200 : vector<16xi32> to vector<16xi32>
    tpu.vector_store %arg7[%swap3A_201], %swap3A_204 {strides = array<i32>} : memref<128xi32, #tpu.memory_space<vmem>>, vector<16xi32>,
    "tpu.region"() ({
      %run_scoped3A = tpu.sem_alloc : memref<!tpu.dma_semaphore, #tpu.memory_space<semaphore_mem>>
      %dma_start3A = arith.constant 0 : i32
      %dma_start3A_734 = arith.constant 0 : i32
      %dma_start3A_735 = tpu.memref_slice %arg8[%dma_start3A, %dma_start3A_734] : memref<256x128xf32, #tpu.memory_space<vmem>> -> memref<128x128xf32, #tpu.memory_space<vmem>>
      %dma_start3A_736 = arith.constant 0 : i32
      %dma_start3A_737 = arith.constant 0 : i32
      %dma_start3A_738 = tpu.memref_slice %arg9[%dma_start3A_736, %dma_start3A_737] : memref<10240x128xf32, #tpu.memory_space<vmem_shared>> -> memref<10240x128xf32, #tpu.memory_space<vmem_shared>>
      tpu.enqueue_indirect_dma source(%dma_start3A_735 : memref<128x128xf32, #tpu.memory_space<vmem>>) target(%dma_start3A_738 : memref<10240x128xf32, #tpu.memory_space<vmem_shared>>) offsets(%arg7 : memref<128xi32, #tpu.memory_space<vmem>>) semaphore(%run_scoped3A : memref<!tpu.dma_semaphore, #tpu.memory_space<semaphore_mem>>)
      %dma_wait3A = arith.constant 0 : i32
      %dma_wait3A_739 = arith.constant 0 : i32
      %dma_wait3A_740 = tpu.memref_slice %arg8[%dma_wait3A, %dma_wait3A_739] : memref<256x128xf32, #tpu.memory_space<vmem>> -> memref<128x128xf32, #tpu.memory_space<vmem>>
      %dma_wait3A_741 = arith.constant 0 : i32
      %dma_wait3A_742 = arith.constant 0 : i32
      %dma_wait3A_743 = tpu.memref_slice %arg9[%dma_wait3A_741, %dma_wait3A_742] : memref<10240x128xf32, #tpu.memory_space<vmem_shared>> -> memref<10240x128xf32, #tpu.memory_space<vmem_shared>>
      tpu.wait_indirect_dma semaphore(%run_scoped3A : memref<!tpu.dma_semaphore, #tpu.memory_space<semaphore_mem>>) src(%dma_wait3A_740 : memref<128x128xf32, #tpu.memory_space<vmem>>) dst(%dma_wait3A_743 : memref<10240x128xf32, #tpu.memory_space<vmem_shared>>)
      tpu.yield
    }) : () -> ()
    %add3A_205 = arith.constant 384 : i32
    %add3A_206 = arith.addi %mul3A_2, %add3A_205 : i32
    %add3A_207 = arith.constant 0 : i32
    %add3A_208 = arith.addi %add3A_206, %add3A_207 : i32
    %add3A_209 = vector.broadcast %add3A_208 : i32 to vector<16xi32>
    %add3A_210 = arith.addi %iota3A, %add3A_209 : vector<16xi32>
    %swap3A_211 = arith.constant 0 : index
    %swap3A_212 = tpu.vector_load %arg7[%swap3A_211] {strides = array<i32>} : memref<128xi32, #tpu.memory_space<vmem>>, vector<16xi32>,
    %swap3A_213 = vector.shape_cast %swap3A_212 : vector<16xi32> to vector<16xi32>
    %swap3A_214 = vector.shape_cast %add3A_210 : vector<16xi32> to vector<16xi32>
    tpu.vector_store %arg7[%swap3A_211], %swap3A_214 {strides = array<i32>} : memref<128xi32, #tpu.memory_space<vmem>>, vector<16xi32>,
    %add3A_215 = arith.constant 16 : i32
    %add3A_216 = arith.addi %add3A_206, %add3A_215 : i32
    %add3A_217 = vector.broadcast %add3A_216 : i32 to vector<16xi32>
    %add3A_218 = arith.addi %iota3A, %add3A_217 : vector<16xi32>
    %swap3A_219 = arith.constant 16 : index
    %swap3A_220 = tpu.vector_load %arg7[%swap3A_219] {strides = array<i32>} : memref<128xi32, #tpu.memory_space<vmem>>, vector<16xi32>,
    %swap3A_221 = vector.shape_cast %swap3A_220 : vector<16xi32> to vector<16xi32>
    %swap3A_222 = vector.shape_cast %add3A_218 : vector<16xi32> to vector<16xi32>
    tpu.vector_store %arg7[%swap3A_219], %swap3A_222 {strides = array<i32>} : memref<128xi32, #tpu.memory_space<vmem>>, vector<16xi32>,
    %add3A_223 = arith.constant 32 : i32
    %add3A_224 = arith.addi %add3A_206, %add3A_223 : i32
    %add3A_225 = vector.broadcast %add3A_224 : i32 to vector<16xi32>
    %add3A_226 = arith.addi %iota3A, %add3A_225 : vector<16xi32>
    %swap3A_227 = arith.constant 32 : index
    %swap3A_228 = tpu.vector_load %arg7[%swap3A_227] {strides = array<i32>} : memref<128xi32, #tpu.memory_space<vmem>>, vector<16xi32>,
    %swap3A_229 = vector.shape_cast %swap3A_228 : vector<16xi32> to vector<16xi32>
    %swap3A_230 = vector.shape_cast %add3A_226 : vector<16xi32> to vector<16xi32>
    tpu.vector_store %arg7[%swap3A_227], %swap3A_230 {strides = array<i32>} : memref<128xi32, #tpu.memory_space<vmem>>, vector<16xi32>,
    %add3A_231 = arith.constant 48 : i32
    %add3A_232 = arith.addi %add3A_206, %add3A_231 : i32
    %add3A_233 = vector.broadcast %add3A_232 : i32 to vector<16xi32>
    %add3A_234 = arith.addi %iota3A, %add3A_233 : vector<16xi32>
    %swap3A_235 = arith.constant 48 : index
    %swap3A_236 = tpu.vector_load %arg7[%swap3A_235] {strides = array<i32>} : memref<128xi32, #tpu.memory_space<vmem>>, vector<16xi32>,
    %swap3A_237 = vector.shape_cast %swap3A_236 : vector<16xi32> to vector<16xi32>
    %swap3A_238 = vector.shape_cast %add3A_234 : vector<16xi32> to vector<16xi32>
    tpu.vector_store %arg7[%swap3A_235], %swap3A_238 {strides = array<i32>} : memref<128xi32, #tpu.memory_space<vmem>>, vector<16xi32>,
    %add3A_239 = arith.constant 64 : i32
    %add3A_240 = arith.addi %add3A_206, %add3A_239 : i32
    %add3A_241 = vector.broadcast %add3A_240 : i32 to vector<16xi32>
    %add3A_242 = arith.addi %iota3A, %add3A_241 : vector<16xi32>
    %swap3A_243 = arith.constant 64 : index
    %swap3A_244 = tpu.vector_load %arg7[%swap3A_243] {strides = array<i32>} : memref<128xi32, #tpu.memory_space<vmem>>, vector<16xi32>,
    %swap3A_245 = vector.shape_cast %swap3A_244 : vector<16xi32> to vector<16xi32>
    %swap3A_246 = vector.shape_cast %add3A_242 : vector<16xi32> to vector<16xi32>
    tpu.vector_store %arg7[%swap3A_243], %swap3A_246 {strides = array<i32>} : memref<128xi32, #tpu.memory_space<vmem>>, vector<16xi32>,
    %add3A_247 = arith.constant 80 : i32
    %add3A_248 = arith.addi %add3A_206, %add3A_247 : i32
    %add3A_249 = vector.broadcast %add3A_248 : i32 to vector<16xi32>
    %add3A_250 = arith.addi %iota3A, %add3A_249 : vector<16xi32>
    %swap3A_251 = arith.constant 80 : index
    %swap3A_252 = tpu.vector_load %arg7[%swap3A_251] {strides = array<i32>} : memref<128xi32, #tpu.memory_space<vmem>>, vector<16xi32>,
    %swap3A_253 = vector.shape_cast %swap3A_252 : vector<16xi32> to vector<16xi32>
    %swap3A_254 = vector.shape_cast %add3A_250 : vector<16xi32> to vector<16xi32>
    tpu.vector_store %arg7[%swap3A_251], %swap3A_254 {strides = array<i32>} : memref<128xi32, #tpu.memory_space<vmem>>, vector<16xi32>,
    %add3A_255 = arith.constant 96 : i32
    %add3A_256 = arith.addi %add3A_206, %add3A_255 : i32
    %add3A_257 = vector.broadcast %add3A_256 : i32 to vector<16xi32>
    %add3A_258 = arith.addi %iota3A, %add3A_257 : vector<16xi32>
    %swap3A_259 = arith.constant 96 : index
    %swap3A_260 = tpu.vector_load %arg7[%swap3A_259] {strides = array<i32>} : memref<128xi32, #tpu.memory_space<vmem>>, vector<16xi32>,
    %swap3A_261 = vector.shape_cast %swap3A_260 : vector<16xi32> to vector<16xi32>
    %swap3A_262 = vector.shape_cast %add3A_258 : vector<16xi32> to vector<16xi32>
    tpu.vector_store %arg7[%swap3A_259], %swap3A_262 {strides = array<i32>} : memref<128xi32, #tpu.memory_space<vmem>>, vector<16xi32>,
    %add3A_263 = arith.constant 112 : i32
    %add3A_264 = arith.addi %add3A_206, %add3A_263 : i32
    %add3A_265 = vector.broadcast %add3A_264 : i32 to vector<16xi32>
    %add3A_266 = arith.addi %iota3A, %add3A_265 : vector<16xi32>
    %swap3A_267 = arith.constant 112 : index
    %swap3A_268 = tpu.vector_load %arg7[%swap3A_267] {strides = array<i32>} : memref<128xi32, #tpu.memory_space<vmem>>, vector<16xi32>,
    %swap3A_269 = vector.shape_cast %swap3A_268 : vector<16xi32> to vector<16xi32>
    %swap3A_270 = vector.shape_cast %add3A_266 : vector<16xi32> to vector<16xi32>
    tpu.vector_store %arg7[%swap3A_267], %swap3A_270 {strides = array<i32>} : memref<128xi32, #tpu.memory_space<vmem>>, vector<16xi32>,
    "tpu.region"() ({
      %run_scoped3A = tpu.sem_alloc : memref<!tpu.dma_semaphore, #tpu.memory_space<semaphore_mem>>
      %dma_start3A = arith.constant 0 : i32
      %dma_start3A_734 = arith.constant 0 : i32
      %dma_start3A_735 = tpu.memref_slice %arg8[%dma_start3A, %dma_start3A_734] : memref<256x128xf32, #tpu.memory_space<vmem>> -> memref<128x128xf32, #tpu.memory_space<vmem>>
      %dma_start3A_736 = arith.constant 0 : i32
      %dma_start3A_737 = arith.constant 0 : i32
      %dma_start3A_738 = tpu.memref_slice %arg9[%dma_start3A_736, %dma_start3A_737] : memref<10240x128xf32, #tpu.memory_space<vmem_shared>> -> memref<10240x128xf32, #tpu.memory_space<vmem_shared>>
      tpu.enqueue_indirect_dma source(%dma_start3A_735 : memref<128x128xf32, #tpu.memory_space<vmem>>) target(%dma_start3A_738 : memref<10240x128xf32, #tpu.memory_space<vmem_shared>>) offsets(%arg7 : memref<128xi32, #tpu.memory_space<vmem>>) semaphore(%run_scoped3A : memref<!tpu.dma_semaphore, #tpu.memory_space<semaphore_mem>>)
      %dma_wait3A = arith.constant 0 : i32
      %dma_wait3A_739 = arith.constant 0 : i32
      %dma_wait3A_740 = tpu.memref_slice %arg8[%dma_wait3A, %dma_wait3A_739] : memref<256x128xf32, #tpu.memory_space<vmem>> -> memref<128x128xf32, #tpu.memory_space<vmem>>
      %dma_wait3A_741 = arith.constant 0 : i32
      %dma_wait3A_742 = arith.constant 0 : i32
      %dma_wait3A_743 = tpu.memref_slice %arg9[%dma_wait3A_741, %dma_wait3A_742] : memref<10240x128xf32, #tpu.memory_space<vmem_shared>> -> memref<10240x128xf32, #tpu.memory_space<vmem_shared>>
      tpu.wait_indirect_dma semaphore(%run_scoped3A : memref<!tpu.dma_semaphore, #tpu.memory_space<semaphore_mem>>) src(%dma_wait3A_740 : memref<128x128xf32, #tpu.memory_space<vmem>>) dst(%dma_wait3A_743 : memref<10240x128xf32, #tpu.memory_space<vmem_shared>>)
      tpu.yield
    }) : () -> ()
    %add3A_271 = arith.constant 512 : i32
    %add3A_272 = arith.addi %mul3A_2, %add3A_271 : i32
    %add3A_273 = arith.constant 0 : i32
    %add3A_274 = arith.addi %add3A_272, %add3A_273 : i32
    %add3A_275 = vector.broadcast %add3A_274 : i32 to vector<16xi32>
    %add3A_276 = arith.addi %iota3A, %add3A_275 : vector<16xi32>
    %swap3A_277 = arith.constant 0 : index
    %swap3A_278 = tpu.vector_load %arg7[%swap3A_277] {strides = array<i32>} : memref<128xi32, #tpu.memory_space<vmem>>, vector<16xi32>,
    %swap3A_279 = vector.shape_cast %swap3A_278 : vector<16xi32> to vector<16xi32>
    %swap3A_280 = vector.shape_cast %add3A_276 : vector<16xi32> to vector<16xi32>
    tpu.vector_store %arg7[%swap3A_277], %swap3A_280 {strides = array<i32>} : memref<128xi32, #tpu.memory_space<vmem>>, vector<16xi32>,
    %add3A_281 = arith.constant 16 : i32
    %add3A_282 = arith.addi %add3A_272, %add3A_281 : i32
    %add3A_283 = vector.broadcast %add3A_282 : i32 to vector<16xi32>
    %add3A_284 = arith.addi %iota3A, %add3A_283 : vector<16xi32>
    %swap3A_285 = arith.constant 16 : index
    %swap3A_286 = tpu.vector_load %arg7[%swap3A_285] {strides = array<i32>} : memref<128xi32, #tpu.memory_space<vmem>>, vector<16xi32>,
    %swap3A_287 = vector.shape_cast %swap3A_286 : vector<16xi32> to vector<16xi32>
    %swap3A_288 = vector.shape_cast %add3A_284 : vector<16xi32> to vector<16xi32>
    tpu.vector_store %arg7[%swap3A_285], %swap3A_288 {strides = array<i32>} : memref<128xi32, #tpu.memory_space<vmem>>, vector<16xi32>,
    %add3A_289 = arith.constant 32 : i32
    %add3A_290 = arith.addi %add3A_272, %add3A_289 : i32
    %add3A_291 = vector.broadcast %add3A_290 : i32 to vector<16xi32>
    %add3A_292 = arith.addi %iota3A, %add3A_291 : vector<16xi32>
    %swap3A_293 = arith.constant 32 : index
    %swap3A_294 = tpu.vector_load %arg7[%swap3A_293] {strides = array<i32>} : memref<128xi32, #tpu.memory_space<vmem>>, vector<16xi32>,
    %swap3A_295 = vector.shape_cast %swap3A_294 : vector<16xi32> to vector<16xi32>
    %swap3A_296 = vector.shape_cast %add3A_292 : vector<16xi32> to vector<16xi32>
    tpu.vector_store %arg7[%swap3A_293], %swap3A_296 {strides = array<i32>} : memref<128xi32, #tpu.memory_space<vmem>>, vector<16xi32>,
    %add3A_297 = arith.constant 48 : i32
    %add3A_298 = arith.addi %add3A_272, %add3A_297 : i32
    %add3A_299 = vector.broadcast %add3A_298 : i32 to vector<16xi32>
    %add3A_300 = arith.addi %iota3A, %add3A_299 : vector<16xi32>
    %swap3A_301 = arith.constant 48 : index
    %swap3A_302 = tpu.vector_load %arg7[%swap3A_301] {strides = array<i32>} : memref<128xi32, #tpu.memory_space<vmem>>, vector<16xi32>,
    %swap3A_303 = vector.shape_cast %swap3A_302 : vector<16xi32> to vector<16xi32>
    %swap3A_304 = vector.shape_cast %add3A_300 : vector<16xi32> to vector<16xi32>
    tpu.vector_store %arg7[%swap3A_301], %swap3A_304 {strides = array<i32>} : memref<128xi32, #tpu.memory_space<vmem>>, vector<16xi32>,
    %add3A_305 = arith.constant 64 : i32
    %add3A_306 = arith.addi %add3A_272, %add3A_305 : i32
    %add3A_307 = vector.broadcast %add3A_306 : i32 to vector<16xi32>
    %add3A_308 = arith.addi %iota3A, %add3A_307 : vector<16xi32>
    %swap3A_309 = arith.constant 64 : index
    %swap3A_310 = tpu.vector_load %arg7[%swap3A_309] {strides = array<i32>} : memref<128xi32, #tpu.memory_space<vmem>>, vector<16xi32>,
    %swap3A_311 = vector.shape_cast %swap3A_310 : vector<16xi32> to vector<16xi32>
    %swap3A_312 = vector.shape_cast %add3A_308 : vector<16xi32> to vector<16xi32>
    tpu.vector_store %arg7[%swap3A_309], %swap3A_312 {strides = array<i32>} : memref<128xi32, #tpu.memory_space<vmem>>, vector<16xi32>,
    %add3A_313 = arith.constant 80 : i32
    %add3A_314 = arith.addi %add3A_272, %add3A_313 : i32
    %add3A_315 = vector.broadcast %add3A_314 : i32 to vector<16xi32>
    %add3A_316 = arith.addi %iota3A, %add3A_315 : vector<16xi32>
    %swap3A_317 = arith.constant 80 : index
    %swap3A_318 = tpu.vector_load %arg7[%swap3A_317] {strides = array<i32>} : memref<128xi32, #tpu.memory_space<vmem>>, vector<16xi32>,
    %swap3A_319 = vector.shape_cast %swap3A_318 : vector<16xi32> to vector<16xi32>
    %swap3A_320 = vector.shape_cast %add3A_316 : vector<16xi32> to vector<16xi32>
    tpu.vector_store %arg7[%swap3A_317], %swap3A_320 {strides = array<i32>} : memref<128xi32, #tpu.memory_space<vmem>>, vector<16xi32>,
    %add3A_321 = arith.constant 96 : i32
    %add3A_322 = arith.addi %add3A_272, %add3A_321 : i32
    %add3A_323 = vector.broadcast %add3A_322 : i32 to vector<16xi32>
    %add3A_324 = arith.addi %iota3A, %add3A_323 : vector<16xi32>
    %swap3A_325 = arith.constant 96 : index
    %swap3A_326 = tpu.vector_load %arg7[%swap3A_325] {strides = array<i32>} : memref<128xi32, #tpu.memory_space<vmem>>, vector<16xi32>,
    %swap3A_327 = vector.shape_cast %swap3A_326 : vector<16xi32> to vector<16xi32>
    %swap3A_328 = vector.shape_cast %add3A_324 : vector<16xi32> to vector<16xi32>
    tpu.vector_store %arg7[%swap3A_325], %swap3A_328 {strides = array<i32>} : memref<128xi32, #tpu.memory_space<vmem>>, vector<16xi32>,
    %add3A_329 = arith.constant 112 : i32
    %add3A_330 = arith.addi %add3A_272, %add3A_329 : i32
    %add3A_331 = vector.broadcast %add3A_330 : i32 to vector<16xi32>
    %add3A_332 = arith.addi %iota3A, %add3A_331 : vector<16xi32>
    %swap3A_333 = arith.constant 112 : index
    %swap3A_334 = tpu.vector_load %arg7[%swap3A_333] {strides = array<i32>} : memref<128xi32, #tpu.memory_space<vmem>>, vector<16xi32>,
    %swap3A_335 = vector.shape_cast %swap3A_334 : vector<16xi32> to vector<16xi32>
    %swap3A_336 = vector.shape_cast %add3A_332 : vector<16xi32> to vector<16xi32>
    tpu.vector_store %arg7[%swap3A_333], %swap3A_336 {strides = array<i32>} : memref<128xi32, #tpu.memory_space<vmem>>, vector<16xi32>,
    "tpu.region"() ({
      %run_scoped3A = tpu.sem_alloc : memref<!tpu.dma_semaphore, #tpu.memory_space<semaphore_mem>>
      %dma_start3A = arith.constant 0 : i32
      %dma_start3A_734 = arith.constant 0 : i32
      %dma_start3A_735 = tpu.memref_slice %arg8[%dma_start3A, %dma_start3A_734] : memref<256x128xf32, #tpu.memory_space<vmem>> -> memref<128x128xf32, #tpu.memory_space<vmem>>
      %dma_start3A_736 = arith.constant 0 : i32
      %dma_start3A_737 = arith.constant 0 : i32
      %dma_start3A_738 = tpu.memref_slice %arg9[%dma_start3A_736, %dma_start3A_737] : memref<10240x128xf32, #tpu.memory_space<vmem_shared>> -> memref<10240x128xf32, #tpu.memory_space<vmem_shared>>
      tpu.enqueue_indirect_dma source(%dma_start3A_735 : memref<128x128xf32, #tpu.memory_space<vmem>>) target(%dma_start3A_738 : memref<10240x128xf32, #tpu.memory_space<vmem_shared>>) offsets(%arg7 : memref<128xi32, #tpu.memory_space<vmem>>) semaphore(%run_scoped3A : memref<!tpu.dma_semaphore, #tpu.memory_space<semaphore_mem>>)
      %dma_wait3A = arith.constant 0 : i32
      %dma_wait3A_739 = arith.constant 0 : i32
      %dma_wait3A_740 = tpu.memref_slice %arg8[%dma_wait3A, %dma_wait3A_739] : memref<256x128xf32, #tpu.memory_space<vmem>> -> memref<128x128xf32, #tpu.memory_space<vmem>>
      %dma_wait3A_741 = arith.constant 0 : i32
      %dma_wait3A_742 = arith.constant 0 : i32
      %dma_wait3A_743 = tpu.memref_slice %arg9[%dma_wait3A_741, %dma_wait3A_742] : memref<10240x128xf32, #tpu.memory_space<vmem_shared>> -> memref<10240x128xf32, #tpu.memory_space<vmem_shared>>
      tpu.wait_indirect_dma semaphore(%run_scoped3A : memref<!tpu.dma_semaphore, #tpu.memory_space<semaphore_mem>>) src(%dma_wait3A_740 : memref<128x128xf32, #tpu.memory_space<vmem>>) dst(%dma_wait3A_743 : memref<10240x128xf32, #tpu.memory_space<vmem_shared>>)
      tpu.yield
    }) : () -> ()
    %barrier3A = arith.constant 0 : index
    tpu.barrier barrier_id(%barrier3A)
    %mul3A_337 = arith.constant 2500 : i32
    %mul3A_338 = arith.muli %add3A, %mul3A_337 : i32
    %jit3A = arith.constant 32 : i32
    %div3A = arith.divsi %mul3A_338, %jit3A : i32
    %sign3A = arith.constant 0 : i32
    %sign3A_339 = arith.cmpi sgt, %mul3A_338, %sign3A : i32
    %sign3A_340 = arith.extui %sign3A_339 : i1 to i32
    %sign3A_341 = arith.constant 0 : i32
    %sign3A_342 = arith.cmpi slt, %mul3A_338, %sign3A_341 : i32
    %sign3A_343 = arith.extui %sign3A_342 : i1 to i32
    %sign3A_344 = arith.subi %sign3A_340, %sign3A_343 : i32
    %sign3A_345 = arith.constant 0 : i32
    %sign3A_346 = arith.cmpi sgt, %jit3A, %sign3A_345 : i32
    %sign3A_347 = arith.extui %sign3A_346 : i1 to i32
    %sign3A_348 = arith.constant 0 : i32
    %sign3A_349 = arith.cmpi slt, %jit3A, %sign3A_348 : i32
    %sign3A_350 = arith.extui %sign3A_349 : i1 to i32
    %sign3A_351 = arith.subi %sign3A_347, %sign3A_350 : i32
    %ne3A = arith.cmpi ne, %sign3A_344, %sign3A_351 : i32
    %rem3A = arith.remsi %mul3A_338, %jit3A : i32
    %ne3A_352 = arith.constant 0 : i32
    %ne3A_353 = arith.cmpi ne, %rem3A, %ne3A_352 : i32
    %and3A = arith.andi %ne3A, %ne3A_353 : i1
    %sub3A = arith.constant 1 : i32
    %sub3A_354 = arith.subi %div3A, %sub3A : i32
    %select_n3A = arith.select %and3A, %sub3A_354, %div3A : i32
    %add3A_355 = arith.constant 1 : i32
    %add3A_356 = arith.addi %add3A, %add3A_355 : i32
    %mul3A_357 = arith.constant 2500 : i32
    %mul3A_358 = arith.muli %add3A_356, %mul3A_357 : i32
    %jit3A_359 = arith.constant 32 : i32
    %div3A_360 = arith.divsi %mul3A_358, %jit3A_359 : i32
    %sign3A_361 = arith.constant 0 : i32
    %sign3A_362 = arith.cmpi sgt, %mul3A_358, %sign3A_361 : i32
    %sign3A_363 = arith.extui %sign3A_362 : i1 to i32
    %sign3A_364 = arith.constant 0 : i32
    %sign3A_365 = arith.cmpi slt, %mul3A_358, %sign3A_364 : i32
    %sign3A_366 = arith.extui %sign3A_365 : i1 to i32
    %sign3A_367 = arith.subi %sign3A_363, %sign3A_366 : i32
    %sign3A_368 = arith.constant 0 : i32
    %sign3A_369 = arith.cmpi sgt, %jit3A_359, %sign3A_368 : i32
    %sign3A_370 = arith.extui %sign3A_369 : i1 to i32
    %sign3A_371 = arith.constant 0 : i32
    %sign3A_372 = arith.cmpi slt, %jit3A_359, %sign3A_371 : i32
    %sign3A_373 = arith.extui %sign3A_372 : i1 to i32
    %sign3A_374 = arith.subi %sign3A_370, %sign3A_373 : i32
    %ne3A_375 = arith.cmpi ne, %sign3A_367, %sign3A_374 : i32
    %rem3A_376 = arith.remsi %mul3A_358, %jit3A_359 : i32
    %ne3A_377 = arith.constant 0 : i32
    %ne3A_378 = arith.cmpi ne, %rem3A_376, %ne3A_377 : i32
    %and3A_379 = arith.andi %ne3A_375, %ne3A_378 : i1
    %sub3A_380 = arith.constant 1 : i32
    %sub3A_381 = arith.subi %div3A_360, %sub3A_380 : i32
    %select_n3A_382 = arith.select %and3A_379, %sub3A_381, %div3A_360 : i32
    %while3A = arith.subi %select_n3A_382, %select_n3A : i32
    %while3A_383 = arith.addi %select_n3A, %while3A : i32
    %while3A_384 = arith.constant 1 : i32
    %while3A_385 = arith.divsi %while3A, %while3A_384 : i32
    %while3A_386 = arith.muli %while3A_385, %while3A_384 : i32
    %while3A_387 = arith.addi %select_n3A, %while3A_386 : i32
    %while3A_388 = arith.constant 1 : i32
    scf.for %while3A_734 = %select_n3A to %while3A_387 step %while3A_388  : i32 {
      "tpu.region"() ({
        %run_scoped3A_776 = tpu.sem_alloc : memref<!tpu.dma_semaphore, #tpu.memory_space<semaphore_mem>>
        %dma_start3A_777 = arith.constant 0 : i32
        %dma_start3A_778 = arith.constant 0 : i32
        %dma_start3A_779 = tpu.memref_slice %arg3[%while3A_734, %dma_start3A_777, %dma_start3A_778] : memref<2500x2x128xi32, #tpu.memory_space<hbm>> -> memref<1x2x128xi32, #tpu.memory_space<hbm>>
        %dma_start3A_780 = tpu.memref_squeeze %dma_start3A_779 : memref<1x2x128xi32, #tpu.memory_space<hbm>> -> memref<2x128xi32, #tpu.memory_space<hbm>>
        %dma_start3A_781 = arith.constant 0 : i32
        %dma_start3A_782 = arith.constant 0 : i32
        %dma_start3A_783 = tpu.memref_slice %arg3[%while3A_734, %dma_start3A_781, %dma_start3A_782] : memref<2500x2x128xi32, #tpu.memory_space<hbm>> -> memref<1x2x128xi32, #tpu.memory_space<hbm>>
        %dma_start3A_784 = tpu.memref_squeeze %dma_start3A_783 : memref<1x2x128xi32, #tpu.memory_space<hbm>> -> memref<2x128xi32, #tpu.memory_space<hbm>>
        tpu.enqueue_dma source(%dma_start3A_784 : memref<2x128xi32, #tpu.memory_space<hbm>>) target(%arg6 : memref<2x128xi32, #tpu.memory_space<vmem>>) target_semaphore(%run_scoped3A_776 : memref<!tpu.dma_semaphore, #tpu.memory_space<semaphore_mem>>)
        %dma_wait3A_785 = arith.constant 0 : i32
        %dma_wait3A_786 = arith.constant 0 : i32
        %dma_wait3A_787 = tpu.memref_slice %arg3[%while3A_734, %dma_wait3A_785, %dma_wait3A_786] : memref<2500x2x128xi32, #tpu.memory_space<hbm>> -> memref<1x2x128xi32, #tpu.memory_space<hbm>>
        %dma_wait3A_788 = tpu.memref_squeeze %dma_wait3A_787 : memref<1x2x128xi32, #tpu.memory_space<hbm>> -> memref<2x128xi32, #tpu.memory_space<hbm>>
        %dma_wait3A_789 = arith.constant 0 : i32
        %dma_wait3A_790 = arith.constant 0 : i32
        %dma_wait3A_791 = tpu.memref_slice %arg3[%while3A_734, %dma_wait3A_789, %dma_wait3A_790] : memref<2500x2x128xi32, #tpu.memory_space<hbm>> -> memref<1x2x128xi32, #tpu.memory_space<hbm>>
        %dma_wait3A_792 = tpu.memref_squeeze %dma_wait3A_791 : memref<1x2x128xi32, #tpu.memory_space<hbm>> -> memref<2x128xi32, #tpu.memory_space<hbm>>
        tpu.wait_dma2 semaphore(%run_scoped3A_776 : memref<!tpu.dma_semaphore, #tpu.memory_space<semaphore_mem>>) src(%dma_wait3A_792 : memref<2x128xi32, #tpu.memory_space<hbm>>) dst(%arg6 : memref<2x128xi32, #tpu.memory_space<vmem>>)
        tpu.yield
      }) : () -> ()
      %dma_start3A = arith.constant 0 : i32
      %dma_start3A_735 = arith.constant 0 : i32
      %dma_start3A_736 = arith.constant 0 : i32
      %dma_start3A_737 = tpu.memref_slice %arg8[%dma_start3A_735, %dma_start3A_736] : memref<256x128xf32, #tpu.memory_space<vmem>> -> memref<128x128xf32, #tpu.memory_space<vmem>>
      %dma_start3A_738 = arith.constant 0 : i32
      %dma_start3A_739 = tpu.memref_slice %arg6[%dma_start3A, %dma_start3A_738] : memref<2x128xi32, #tpu.memory_space<vmem>> -> memref<1x128xi32, #tpu.memory_space<vmem>>
      %dma_start3A_740 = tpu.memref_squeeze %dma_start3A_739 : memref<1x128xi32, #tpu.memory_space<vmem>> -> memref<128xi32, #tpu.memory_space<vmem>>
      %dma_start3A_741 = arith.constant 0 : i32
      %dma_start3A_742 = arith.constant 0 : i32
      %dma_start3A_743 = tpu.memref_slice %arg2[%dma_start3A_741, %dma_start3A_742] : memref<10000x128xf32, #tpu.memory_space<hbm>> -> memref<10000x128xf32, #tpu.memory_space<hbm>>
      tpu.enqueue_indirect_dma source(%dma_start3A_743 : memref<10000x128xf32, #tpu.memory_space<hbm>>) target(%dma_start3A_737 : memref<128x128xf32, #tpu.memory_space<vmem>>) offsets(%dma_start3A_740 : memref<128xi32, #tpu.memory_space<vmem>>) semaphore(%arg10 : memref<!tpu.dma_semaphore, #tpu.memory_space<semaphore_mem>>)
      %mul3A_744 = arith.constant 128 : i32
      %mul3A_745 = arith.muli %while3A_734, %mul3A_744 : i32
      %dma_start3A_746 = arith.constant 128 : i32
      %dma_start3A_747 = arith.constant 0 : i32
      %dma_start3A_748 = tpu.memref_slice %arg8[%dma_start3A_746, %dma_start3A_747] : memref<256x128xf32, #tpu.memory_space<vmem>> -> memref<128x128xf32, #tpu.memory_space<vmem>>
      %dma_start3A_749 = arith.constant 0 : i32
      %dma_start3A_750 = tpu.memref_slice %arg4[%mul3A_745, %dma_start3A_749] : memref<320000x128xf32, #tpu.memory_space<hbm>> -> memref<128x128xf32, #tpu.memory_space<hbm>>
      %dma_start3A_751 = arith.constant 128 : i32
      %dma_start3A_752 = arith.constant 0 : i32
      %dma_start3A_753 = tpu.memref_slice %arg8[%dma_start3A_751, %dma_start3A_752] : memref<256x128xf32, #tpu.memory_space<vmem>> -> memref<128x128xf32, #tpu.memory_space<vmem>>
      %dma_start3A_754 = arith.constant 0 : i32
      %dma_start3A_755 = tpu.memref_slice %arg4[%mul3A_745, %dma_start3A_754] : memref<320000x128xf32, #tpu.memory_space<hbm>> -> memref<128x128xf32, #tpu.memory_space<hbm>>
      tpu.enqueue_dma source(%dma_start3A_755 : memref<128x128xf32, #tpu.memory_space<hbm>>) target(%dma_start3A_753 : memref<128x128xf32, #tpu.memory_space<vmem>>) target_semaphore(%arg10 : memref<!tpu.dma_semaphore, #tpu.memory_space<semaphore_mem>>)
      %dma_wait3A = arith.constant 0 : i32
      %dma_wait3A_756 = arith.constant 0 : i32
      %dma_wait3A_757 = arith.constant 0 : i32
      %dma_wait3A_758 = tpu.memref_slice %arg8[%dma_wait3A_756, %dma_wait3A_757] : memref<256x128xf32, #tpu.memory_space<vmem>> -> memref<128x128xf32, #tpu.memory_space<vmem>>
      %dma_wait3A_759 = arith.constant 0 : i32
      %dma_wait3A_760 = tpu.memref_slice %arg6[%dma_wait3A, %dma_wait3A_759] : memref<2x128xi32, #tpu.memory_space<vmem>> -> memref<1x128xi32, #tpu.memory_space<vmem>>
      %dma_wait3A_761 = tpu.memref_squeeze %dma_wait3A_760 : memref<1x128xi32, #tpu.memory_space<vmem>> -> memref<128xi32, #tpu.memory_space<vmem>>
      %dma_wait3A_762 = arith.constant 0 : i32
      %dma_wait3A_763 = arith.constant 0 : i32
      %dma_wait3A_764 = tpu.memref_slice %arg2[%dma_wait3A_762, %dma_wait3A_763] : memref<10000x128xf32, #tpu.memory_space<hbm>> -> memref<10000x128xf32, #tpu.memory_space<hbm>>
      tpu.wait_indirect_dma semaphore(%arg10 : memref<!tpu.dma_semaphore, #tpu.memory_space<semaphore_mem>>) src(%dma_wait3A_764 : memref<10000x128xf32, #tpu.memory_space<hbm>>) dst(%dma_wait3A_758 : memref<128x128xf32, #tpu.memory_space<vmem>>)
      %dma_wait3A_765 = arith.constant 128 : i32
      %dma_wait3A_766 = arith.constant 0 : i32
      %dma_wait3A_767 = tpu.memref_slice %arg8[%dma_wait3A_765, %dma_wait3A_766] : memref<256x128xf32, #tpu.memory_space<vmem>> -> memref<128x128xf32, #tpu.memory_space<vmem>>
      %dma_wait3A_768 = arith.constant 0 : i32
      %dma_wait3A_769 = tpu.memref_slice %arg4[%mul3A_745, %dma_wait3A_768] : memref<320000x128xf32, #tpu.memory_space<hbm>> -> memref<128x128xf32, #tpu.memory_space<hbm>>
      %dma_wait3A_770 = arith.constant 128 : i32
      %dma_wait3A_771 = arith.constant 0 : i32
      %dma_wait3A_772 = tpu.memref_slice %arg8[%dma_wait3A_770, %dma_wait3A_771] : memref<256x128xf32, #tpu.memory_space<vmem>> -> memref<128x128xf32, #tpu.memory_space<vmem>>
      %dma_wait3A_773 = arith.constant 0 : i32
      %dma_wait3A_774 = tpu.memref_slice %arg4[%mul3A_745, %dma_wait3A_773] : memref<320000x128xf32, #tpu.memory_space<hbm>> -> memref<128x128xf32, #tpu.memory_space<hbm>>
      tpu.wait_dma2 semaphore(%arg10 : memref<!tpu.dma_semaphore, #tpu.memory_space<semaphore_mem>>) src(%dma_wait3A_774 : memref<128x128xf32, #tpu.memory_space<hbm>>) dst(%dma_wait3A_772 : memref<128x128xf32, #tpu.memory_space<vmem>>)
      %run_scoped3A = arith.constant 1 : i32
      "tpu.region"() ({
        %run_scoped3A_776 = tpu.sem_alloc : memref<!tpu.dma_semaphore, #tpu.memory_space<semaphore_mem>>
        %dma_start3A_777 = arith.constant 0 : i32
        %dma_start3A_778 = arith.constant 0 : i32
        %dma_start3A_779 = tpu.memref_slice %arg8[%dma_start3A_777, %dma_start3A_778] : memref<256x128xf32, #tpu.memory_space<vmem>> -> memref<128x128xf32, #tpu.memory_space<vmem>>
        %dma_start3A_780 = arith.constant 0 : i32
        %dma_start3A_781 = tpu.memref_slice %arg6[%run_scoped3A, %dma_start3A_780] : memref<2x128xi32, #tpu.memory_space<vmem>> -> memref<1x128xi32, #tpu.memory_space<vmem>>
        %dma_start3A_782 = tpu.memref_squeeze %dma_start3A_781 : memref<1x128xi32, #tpu.memory_space<vmem>> -> memref<128xi32, #tpu.memory_space<vmem>>
        %dma_start3A_783 = arith.constant 0 : i32
        %dma_start3A_784 = arith.constant 0 : i32
        %dma_start3A_785 = tpu.memref_slice %arg9[%dma_start3A_783, %dma_start3A_784] : memref<10240x128xf32, #tpu.memory_space<vmem_shared>> -> memref<10240x128xf32, #tpu.memory_space<vmem_shared>>
        tpu.enqueue_indirect_dma source(%dma_start3A_779 : memref<128x128xf32, #tpu.memory_space<vmem>>) target(%dma_start3A_785 : memref<10240x128xf32, #tpu.memory_space<vmem_shared>>) offsets(%dma_start3A_782 : memref<128xi32, #tpu.memory_space<vmem>>) semaphore(%run_scoped3A_776 : memref<!tpu.dma_semaphore, #tpu.memory_space<semaphore_mem>>) {add = true}
        %dma_wait3A_786 = arith.constant 0 : i32
        %dma_wait3A_787 = arith.constant 0 : i32
        %dma_wait3A_788 = tpu.memref_slice %arg8[%dma_wait3A_786, %dma_wait3A_787] : memref<256x128xf32, #tpu.memory_space<vmem>> -> memref<128x128xf32, #tpu.memory_space<vmem>>
        %dma_wait3A_789 = arith.constant 0 : i32
        %dma_wait3A_790 = tpu.memref_slice %arg6[%run_scoped3A, %dma_wait3A_789] : memref<2x128xi32, #tpu.memory_space<vmem>> -> memref<1x128xi32, #tpu.memory_space<vmem>>
        %dma_wait3A_791 = tpu.memref_squeeze %dma_wait3A_790 : memref<1x128xi32, #tpu.memory_space<vmem>> -> memref<128xi32, #tpu.memory_space<vmem>>
        %dma_wait3A_792 = arith.constant 0 : i32
        %dma_wait3A_793 = arith.constant 0 : i32
        %dma_wait3A_794 = tpu.memref_slice %arg9[%dma_wait3A_792, %dma_wait3A_793] : memref<10240x128xf32, #tpu.memory_space<vmem_shared>> -> memref<10240x128xf32, #tpu.memory_space<vmem_shared>>
        tpu.wait_indirect_dma semaphore(%run_scoped3A_776 : memref<!tpu.dma_semaphore, #tpu.memory_space<semaphore_mem>>) src(%dma_wait3A_788 : memref<128x128xf32, #tpu.memory_space<vmem>>) dst(%dma_wait3A_794 : memref<10240x128xf32, #tpu.memory_space<vmem_shared>>)
        tpu.yield
      }) : () -> ()
      %run_scoped3A_775 = arith.constant 1 : i32
      "tpu.region"() ({
        %run_scoped3A_776 = tpu.sem_alloc : memref<!tpu.dma_semaphore, #tpu.memory_space<semaphore_mem>>
        %dma_start3A_777 = arith.constant 128 : i32
        %dma_start3A_778 = arith.constant 0 : i32
        %dma_start3A_779 = tpu.memref_slice %arg8[%dma_start3A_777, %dma_start3A_778] : memref<256x128xf32, #tpu.memory_space<vmem>> -> memref<128x128xf32, #tpu.memory_space<vmem>>
        %dma_start3A_780 = arith.constant 0 : i32
        %dma_start3A_781 = tpu.memref_slice %arg6[%run_scoped3A_775, %dma_start3A_780] : memref<2x128xi32, #tpu.memory_space<vmem>> -> memref<1x128xi32, #tpu.memory_space<vmem>>
        %dma_start3A_782 = tpu.memref_squeeze %dma_start3A_781 : memref<1x128xi32, #tpu.memory_space<vmem>> -> memref<128xi32, #tpu.memory_space<vmem>>
        %dma_start3A_783 = arith.constant 0 : i32
        %dma_start3A_784 = arith.constant 0 : i32
        %dma_start3A_785 = tpu.memref_slice %arg9[%dma_start3A_783, %dma_start3A_784] : memref<10240x128xf32, #tpu.memory_space<vmem_shared>> -> memref<10240x128xf32, #tpu.memory_space<vmem_shared>>
        tpu.enqueue_indirect_dma source(%dma_start3A_779 : memref<128x128xf32, #tpu.memory_space<vmem>>) target(%dma_start3A_785 : memref<10240x128xf32, #tpu.memory_space<vmem_shared>>) offsets(%dma_start3A_782 : memref<128xi32, #tpu.memory_space<vmem>>) semaphore(%run_scoped3A_776 : memref<!tpu.dma_semaphore, #tpu.memory_space<semaphore_mem>>) {add = true}
        %dma_wait3A_786 = arith.constant 128 : i32
        %dma_wait3A_787 = arith.constant 0 : i32
        %dma_wait3A_788 = tpu.memref_slice %arg8[%dma_wait3A_786, %dma_wait3A_787] : memref<256x128xf32, #tpu.memory_space<vmem>> -> memref<128x128xf32, #tpu.memory_space<vmem>>
        %dma_wait3A_789 = arith.constant 0 : i32
        %dma_wait3A_790 = tpu.memref_slice %arg6[%run_scoped3A_775, %dma_wait3A_789] : memref<2x128xi32, #tpu.memory_space<vmem>> -> memref<1x128xi32, #tpu.memory_space<vmem>>
        %dma_wait3A_791 = tpu.memref_squeeze %dma_wait3A_790 : memref<1x128xi32, #tpu.memory_space<vmem>> -> memref<128xi32, #tpu.memory_space<vmem>>
        %dma_wait3A_792 = arith.constant 0 : i32
        %dma_wait3A_793 = arith.constant 0 : i32
        %dma_wait3A_794 = tpu.memref_slice %arg9[%dma_wait3A_792, %dma_wait3A_793] : memref<10240x128xf32, #tpu.memory_space<vmem_shared>> -> memref<10240x128xf32, #tpu.memory_space<vmem_shared>>
        tpu.wait_indirect_dma semaphore(%run_scoped3A_776 : memref<!tpu.dma_semaphore, #tpu.memory_space<semaphore_mem>>) src(%dma_wait3A_788 : memref<128x128xf32, #tpu.memory_space<vmem>>) dst(%dma_wait3A_794 : memref<10240x128xf32, #tpu.memory_space<vmem_shared>>)
        tpu.yield
      }) : () -> ()
    }
    %while3A_389 = arith.constant 1 : i32
    scf.for %while3A_734 = %while3A_387 to %while3A_383 step %while3A_389  : i32 {
      "tpu.region"() ({
        %run_scoped3A_776 = tpu.sem_alloc : memref<!tpu.dma_semaphore, #tpu.memory_space<semaphore_mem>>
        %dma_start3A_777 = arith.constant 0 : i32
        %dma_start3A_778 = arith.constant 0 : i32
        %dma_start3A_779 = tpu.memref_slice %arg3[%while3A_734, %dma_start3A_777, %dma_start3A_778] : memref<2500x2x128xi32, #tpu.memory_space<hbm>> -> memref<1x2x128xi32, #tpu.memory_space<hbm>>
        %dma_start3A_780 = tpu.memref_squeeze %dma_start3A_779 : memref<1x2x128xi32, #tpu.memory_space<hbm>> -> memref<2x128xi32, #tpu.memory_space<hbm>>
        %dma_start3A_781 = arith.constant 0 : i32
        %dma_start3A_782 = arith.constant 0 : i32
        %dma_start3A_783 = tpu.memref_slice %arg3[%while3A_734, %dma_start3A_781, %dma_start3A_782] : memref<2500x2x128xi32, #tpu.memory_space<hbm>> -> memref<1x2x128xi32, #tpu.memory_space<hbm>>
        %dma_start3A_784 = tpu.memref_squeeze %dma_start3A_783 : memref<1x2x128xi32, #tpu.memory_space<hbm>> -> memref<2x128xi32, #tpu.memory_space<hbm>>
        tpu.enqueue_dma source(%dma_start3A_784 : memref<2x128xi32, #tpu.memory_space<hbm>>) target(%arg6 : memref<2x128xi32, #tpu.memory_space<vmem>>) target_semaphore(%run_scoped3A_776 : memref<!tpu.dma_semaphore, #tpu.memory_space<semaphore_mem>>)
        %dma_wait3A_785 = arith.constant 0 : i32
        %dma_wait3A_786 = arith.constant 0 : i32
        %dma_wait3A_787 = tpu.memref_slice %arg3[%while3A_734, %dma_wait3A_785, %dma_wait3A_786] : memref<2500x2x128xi32, #tpu.memory_space<hbm>> -> memref<1x2x128xi32, #tpu.memory_space<hbm>>
        %dma_wait3A_788 = tpu.memref_squeeze %dma_wait3A_787 : memref<1x2x128xi32, #tpu.memory_space<hbm>> -> memref<2x128xi32, #tpu.memory_space<hbm>>
        %dma_wait3A_789 = arith.constant 0 : i32
        %dma_wait3A_790 = arith.constant 0 : i32
        %dma_wait3A_791 = tpu.memref_slice %arg3[%while3A_734, %dma_wait3A_789, %dma_wait3A_790] : memref<2500x2x128xi32, #tpu.memory_space<hbm>> -> memref<1x2x128xi32, #tpu.memory_space<hbm>>
        %dma_wait3A_792 = tpu.memref_squeeze %dma_wait3A_791 : memref<1x2x128xi32, #tpu.memory_space<hbm>> -> memref<2x128xi32, #tpu.memory_space<hbm>>
        tpu.wait_dma2 semaphore(%run_scoped3A_776 : memref<!tpu.dma_semaphore, #tpu.memory_space<semaphore_mem>>) src(%dma_wait3A_792 : memref<2x128xi32, #tpu.memory_space<hbm>>) dst(%arg6 : memref<2x128xi32, #tpu.memory_space<vmem>>)
        tpu.yield
      }) : () -> ()
      %dma_start3A = arith.constant 0 : i32
      %dma_start3A_735 = arith.constant 0 : i32
      %dma_start3A_736 = arith.constant 0 : i32
      %dma_start3A_737 = tpu.memref_slice %arg8[%dma_start3A_735, %dma_start3A_736] : memref<256x128xf32, #tpu.memory_space<vmem>> -> memref<128x128xf32, #tpu.memory_space<vmem>>
      %dma_start3A_738 = arith.constant 0 : i32
      %dma_start3A_739 = tpu.memref_slice %arg6[%dma_start3A, %dma_start3A_738] : memref<2x128xi32, #tpu.memory_space<vmem>> -> memref<1x128xi32, #tpu.memory_space<vmem>>
      %dma_start3A_740 = tpu.memref_squeeze %dma_start3A_739 : memref<1x128xi32, #tpu.memory_space<vmem>> -> memref<128xi32, #tpu.memory_space<vmem>>
      %dma_start3A_741 = arith.constant 0 : i32
      %dma_start3A_742 = arith.constant 0 : i32
      %dma_start3A_743 = tpu.memref_slice %arg2[%dma_start3A_741, %dma_start3A_742] : memref<10000x128xf32, #tpu.memory_space<hbm>> -> memref<10000x128xf32, #tpu.memory_space<hbm>>
      tpu.enqueue_indirect_dma source(%dma_start3A_743 : memref<10000x128xf32, #tpu.memory_space<hbm>>) target(%dma_start3A_737 : memref<128x128xf32, #tpu.memory_space<vmem>>) offsets(%dma_start3A_740 : memref<128xi32, #tpu.memory_space<vmem>>) semaphore(%arg10 : memref<!tpu.dma_semaphore, #tpu.memory_space<semaphore_mem>>)
      %mul3A_744 = arith.constant 128 : i32
      %mul3A_745 = arith.muli %while3A_734, %mul3A_744 : i32
      %dma_start3A_746 = arith.constant 128 : i32
      %dma_start3A_747 = arith.constant 0 : i32
      %dma_start3A_748 = tpu.memref_slice %arg8[%dma_start3A_746, %dma_start3A_747] : memref<256x128xf32, #tpu.memory_space<vmem>> -> memref<128x128xf32, #tpu.memory_space<vmem>>
      %dma_start3A_749 = arith.constant 0 : i32
      %dma_start3A_750 = tpu.memref_slice %arg4[%mul3A_745, %dma_start3A_749] : memref<320000x128xf32, #tpu.memory_space<hbm>> -> memref<128x128xf32, #tpu.memory_space<hbm>>
      %dma_start3A_751 = arith.constant 128 : i32
      %dma_start3A_752 = arith.constant 0 : i32
      %dma_start3A_753 = tpu.memref_slice %arg8[%dma_start3A_751, %dma_start3A_752] : memref<256x128xf32, #tpu.memory_space<vmem>> -> memref<128x128xf32, #tpu.memory_space<vmem>>
      %dma_start3A_754 = arith.constant 0 : i32
      %dma_start3A_755 = tpu.memref_slice %arg4[%mul3A_745, %dma_start3A_754] : memref<320000x128xf32, #tpu.memory_space<hbm>> -> memref<128x128xf32, #tpu.memory_space<hbm>>
      tpu.enqueue_dma source(%dma_start3A_755 : memref<128x128xf32, #tpu.memory_space<hbm>>) target(%dma_start3A_753 : memref<128x128xf32, #tpu.memory_space<vmem>>) target_semaphore(%arg10 : memref<!tpu.dma_semaphore, #tpu.memory_space<semaphore_mem>>)
      %dma_wait3A = arith.constant 0 : i32
      %dma_wait3A_756 = arith.constant 0 : i32
      %dma_wait3A_757 = arith.constant 0 : i32
      %dma_wait3A_758 = tpu.memref_slice %arg8[%dma_wait3A_756, %dma_wait3A_757] : memref<256x128xf32, #tpu.memory_space<vmem>> -> memref<128x128xf32, #tpu.memory_space<vmem>>
      %dma_wait3A_759 = arith.constant 0 : i32
      %dma_wait3A_760 = tpu.memref_slice %arg6[%dma_wait3A, %dma_wait3A_759] : memref<2x128xi32, #tpu.memory_space<vmem>> -> memref<1x128xi32, #tpu.memory_space<vmem>>
      %dma_wait3A_761 = tpu.memref_squeeze %dma_wait3A_760 : memref<1x128xi32, #tpu.memory_space<vmem>> -> memref<128xi32, #tpu.memory_space<vmem>>
      %dma_wait3A_762 = arith.constant 0 : i32
      %dma_wait3A_763 = arith.constant 0 : i32
      %dma_wait3A_764 = tpu.memref_slice %arg2[%dma_wait3A_762, %dma_wait3A_763] : memref<10000x128xf32, #tpu.memory_space<hbm>> -> memref<10000x128xf32, #tpu.memory_space<hbm>>
      tpu.wait_indirect_dma semaphore(%arg10 : memref<!tpu.dma_semaphore, #tpu.memory_space<semaphore_mem>>) src(%dma_wait3A_764 : memref<10000x128xf32, #tpu.memory_space<hbm>>) dst(%dma_wait3A_758 : memref<128x128xf32, #tpu.memory_space<vmem>>)
      %dma_wait3A_765 = arith.constant 128 : i32
      %dma_wait3A_766 = arith.constant 0 : i32
      %dma_wait3A_767 = tpu.memref_slice %arg8[%dma_wait3A_765, %dma_wait3A_766] : memref<256x128xf32, #tpu.memory_space<vmem>> -> memref<128x128xf32, #tpu.memory_space<vmem>>
      %dma_wait3A_768 = arith.constant 0 : i32
      %dma_wait3A_769 = tpu.memref_slice %arg4[%mul3A_745, %dma_wait3A_768] : memref<320000x128xf32, #tpu.memory_space<hbm>> -> memref<128x128xf32, #tpu.memory_space<hbm>>
      %dma_wait3A_770 = arith.constant 128 : i32
      %dma_wait3A_771 = arith.constant 0 : i32
      %dma_wait3A_772 = tpu.memref_slice %arg8[%dma_wait3A_770, %dma_wait3A_771] : memref<256x128xf32, #tpu.memory_space<vmem>> -> memref<128x128xf32, #tpu.memory_space<vmem>>
      %dma_wait3A_773 = arith.constant 0 : i32
      %dma_wait3A_774 = tpu.memref_slice %arg4[%mul3A_745, %dma_wait3A_773] : memref<320000x128xf32, #tpu.memory_space<hbm>> -> memref<128x128xf32, #tpu.memory_space<hbm>>
      tpu.wait_dma2 semaphore(%arg10 : memref<!tpu.dma_semaphore, #tpu.memory_space<semaphore_mem>>) src(%dma_wait3A_774 : memref<128x128xf32, #tpu.memory_space<hbm>>) dst(%dma_wait3A_772 : memref<128x128xf32, #tpu.memory_space<vmem>>)
      %run_scoped3A = arith.constant 1 : i32
      "tpu.region"() ({
        %run_scoped3A_776 = tpu.sem_alloc : memref<!tpu.dma_semaphore, #tpu.memory_space<semaphore_mem>>
        %dma_start3A_777 = arith.constant 0 : i32
        %dma_start3A_778 = arith.constant 0 : i32
        %dma_start3A_779 = tpu.memref_slice %arg8[%dma_start3A_777, %dma_start3A_778] : memref<256x128xf32, #tpu.memory_space<vmem>> -> memref<128x128xf32, #tpu.memory_space<vmem>>
        %dma_start3A_780 = arith.constant 0 : i32
        %dma_start3A_781 = tpu.memref_slice %arg6[%run_scoped3A, %dma_start3A_780] : memref<2x128xi32, #tpu.memory_space<vmem>> -> memref<1x128xi32, #tpu.memory_space<vmem>>
        %dma_start3A_782 = tpu.memref_squeeze %dma_start3A_781 : memref<1x128xi32, #tpu.memory_space<vmem>> -> memref<128xi32, #tpu.memory_space<vmem>>
        %dma_start3A_783 = arith.constant 0 : i32
        %dma_start3A_784 = arith.constant 0 : i32
        %dma_start3A_785 = tpu.memref_slice %arg9[%dma_start3A_783, %dma_start3A_784] : memref<10240x128xf32, #tpu.memory_space<vmem_shared>> -> memref<10240x128xf32, #tpu.memory_space<vmem_shared>>
        tpu.enqueue_indirect_dma source(%dma_start3A_779 : memref<128x128xf32, #tpu.memory_space<vmem>>) target(%dma_start3A_785 : memref<10240x128xf32, #tpu.memory_space<vmem_shared>>) offsets(%dma_start3A_782 : memref<128xi32, #tpu.memory_space<vmem>>) semaphore(%run_scoped3A_776 : memref<!tpu.dma_semaphore, #tpu.memory_space<semaphore_mem>>) {add = true}
        %dma_wait3A_786 = arith.constant 0 : i32
        %dma_wait3A_787 = arith.constant 0 : i32
        %dma_wait3A_788 = tpu.memref_slice %arg8[%dma_wait3A_786, %dma_wait3A_787] : memref<256x128xf32, #tpu.memory_space<vmem>> -> memref<128x128xf32, #tpu.memory_space<vmem>>
        %dma_wait3A_789 = arith.constant 0 : i32
        %dma_wait3A_790 = tpu.memref_slice %arg6[%run_scoped3A, %dma_wait3A_789] : memref<2x128xi32, #tpu.memory_space<vmem>> -> memref<1x128xi32, #tpu.memory_space<vmem>>
        %dma_wait3A_791 = tpu.memref_squeeze %dma_wait3A_790 : memref<1x128xi32, #tpu.memory_space<vmem>> -> memref<128xi32, #tpu.memory_space<vmem>>
        %dma_wait3A_792 = arith.constant 0 : i32
        %dma_wait3A_793 = arith.constant 0 : i32
        %dma_wait3A_794 = tpu.memref_slice %arg9[%dma_wait3A_792, %dma_wait3A_793] : memref<10240x128xf32, #tpu.memory_space<vmem_shared>> -> memref<10240x128xf32, #tpu.memory_space<vmem_shared>>
        tpu.wait_indirect_dma semaphore(%run_scoped3A_776 : memref<!tpu.dma_semaphore, #tpu.memory_space<semaphore_mem>>) src(%dma_wait3A_788 : memref<128x128xf32, #tpu.memory_space<vmem>>) dst(%dma_wait3A_794 : memref<10240x128xf32, #tpu.memory_space<vmem_shared>>)
        tpu.yield
      }) : () -> ()
      %run_scoped3A_775 = arith.constant 1 : i32
      "tpu.region"() ({
        %run_scoped3A_776 = tpu.sem_alloc : memref<!tpu.dma_semaphore, #tpu.memory_space<semaphore_mem>>
        %dma_start3A_777 = arith.constant 128 : i32
        %dma_start3A_778 = arith.constant 0 : i32
        %dma_start3A_779 = tpu.memref_slice %arg8[%dma_start3A_777, %dma_start3A_778] : memref<256x128xf32, #tpu.memory_space<vmem>> -> memref<128x128xf32, #tpu.memory_space<vmem>>
        %dma_start3A_780 = arith.constant 0 : i32
        %dma_start3A_781 = tpu.memref_slice %arg6[%run_scoped3A_775, %dma_start3A_780] : memref<2x128xi32, #tpu.memory_space<vmem>> -> memref<1x128xi32, #tpu.memory_space<vmem>>
        %dma_start3A_782 = tpu.memref_squeeze %dma_start3A_781 : memref<1x128xi32, #tpu.memory_space<vmem>> -> memref<128xi32, #tpu.memory_space<vmem>>
        %dma_start3A_783 = arith.constant 0 : i32
        %dma_start3A_784 = arith.constant 0 : i32
        %dma_start3A_785 = tpu.memref_slice %arg9[%dma_start3A_783, %dma_start3A_784] : memref<10240x128xf32, #tpu.memory_space<vmem_shared>> -> memref<10240x128xf32, #tpu.memory_space<vmem_shared>>
        tpu.enqueue_indirect_dma source(%dma_start3A_779 : memref<128x128xf32, #tpu.memory_space<vmem>>) target(%dma_start3A_785 : memref<10240x128xf32, #tpu.memory_space<vmem_shared>>) offsets(%dma_start3A_782 : memref<128xi32, #tpu.memory_space<vmem>>) semaphore(%run_scoped3A_776 : memref<!tpu.dma_semaphore, #tpu.memory_space<semaphore_mem>>) {add = true}
        %dma_wait3A_786 = arith.constant 128 : i32
        %dma_wait3A_787 = arith.constant 0 : i32
        %dma_wait3A_788 = tpu.memref_slice %arg8[%dma_wait3A_786, %dma_wait3A_787] : memref<256x128xf32, #tpu.memory_space<vmem>> -> memref<128x128xf32, #tpu.memory_space<vmem>>
        %dma_wait3A_789 = arith.constant 0 : i32
        %dma_wait3A_790 = tpu.memref_slice %arg6[%run_scoped3A_775, %dma_wait3A_789] : memref<2x128xi32, #tpu.memory_space<vmem>> -> memref<1x128xi32, #tpu.memory_space<vmem>>
        %dma_wait3A_791 = tpu.memref_squeeze %dma_wait3A_790 : memref<1x128xi32, #tpu.memory_space<vmem>> -> memref<128xi32, #tpu.memory_space<vmem>>
        %dma_wait3A_792 = arith.constant 0 : i32
        %dma_wait3A_793 = arith.constant 0 : i32
        %dma_wait3A_794 = tpu.memref_slice %arg9[%dma_wait3A_792, %dma_wait3A_793] : memref<10240x128xf32, #tpu.memory_space<vmem_shared>> -> memref<10240x128xf32, #tpu.memory_space<vmem_shared>>
        tpu.wait_indirect_dma semaphore(%run_scoped3A_776 : memref<!tpu.dma_semaphore, #tpu.memory_space<semaphore_mem>>) src(%dma_wait3A_788 : memref<128x128xf32, #tpu.memory_space<vmem>>) dst(%dma_wait3A_794 : memref<10240x128xf32, #tpu.memory_space<vmem_shared>>)
        tpu.yield
      }) : () -> ()
    }
    %barrier3A_390 = arith.constant 0 : index
    tpu.barrier barrier_id(%barrier3A_390)
    %mul3A_391 = arith.constant 10240 : i32
    %mul3A_392 = arith.muli %arg0, %mul3A_391 : i32
    %add3A_393 = arith.addi %mul3A_392, %mul3A_2 : i32
    %add3A_394 = arith.constant 0 : i32
    %add3A_395 = arith.addi %mul3A_2, %add3A_394 : i32
    %add3A_396 = arith.constant 0 : i32
    %add3A_397 = arith.addi %add3A_395, %add3A_396 : i32
    %add3A_398 = vector.broadcast %add3A_397 : i32 to vector<16xi32>
    %add3A_399 = arith.addi %iota3A, %add3A_398 : vector<16xi32>
    %swap3A_400 = arith.constant 0 : index
    %swap3A_401 = tpu.vector_load %arg7[%swap3A_400] {strides = array<i32>} : memref<128xi32, #tpu.memory_space<vmem>>, vector<16xi32>,
    %swap3A_402 = vector.shape_cast %swap3A_401 : vector<16xi32> to vector<16xi32>
    %swap3A_403 = vector.shape_cast %add3A_399 : vector<16xi32> to vector<16xi32>
    tpu.vector_store %arg7[%swap3A_400], %swap3A_403 {strides = array<i32>} : memref<128xi32, #tpu.memory_space<vmem>>, vector<16xi32>,
    %add3A_404 = arith.constant 16 : i32
    %add3A_405 = arith.addi %add3A_395, %add3A_404 : i32
    %add3A_406 = vector.broadcast %add3A_405 : i32 to vector<16xi32>
    %add3A_407 = arith.addi %iota3A, %add3A_406 : vector<16xi32>
    %swap3A_408 = arith.constant 16 : index
    %swap3A_409 = tpu.vector_load %arg7[%swap3A_408] {strides = array<i32>} : memref<128xi32, #tpu.memory_space<vmem>>, vector<16xi32>,
    %swap3A_410 = vector.shape_cast %swap3A_409 : vector<16xi32> to vector<16xi32>
    %swap3A_411 = vector.shape_cast %add3A_407 : vector<16xi32> to vector<16xi32>
    tpu.vector_store %arg7[%swap3A_408], %swap3A_411 {strides = array<i32>} : memref<128xi32, #tpu.memory_space<vmem>>, vector<16xi32>,
    %add3A_412 = arith.constant 32 : i32
    %add3A_413 = arith.addi %add3A_395, %add3A_412 : i32
    %add3A_414 = vector.broadcast %add3A_413 : i32 to vector<16xi32>
    %add3A_415 = arith.addi %iota3A, %add3A_414 : vector<16xi32>
    %swap3A_416 = arith.constant 32 : index
    %swap3A_417 = tpu.vector_load %arg7[%swap3A_416] {strides = array<i32>} : memref<128xi32, #tpu.memory_space<vmem>>, vector<16xi32>,
    %swap3A_418 = vector.shape_cast %swap3A_417 : vector<16xi32> to vector<16xi32>
    %swap3A_419 = vector.shape_cast %add3A_415 : vector<16xi32> to vector<16xi32>
    tpu.vector_store %arg7[%swap3A_416], %swap3A_419 {strides = array<i32>} : memref<128xi32, #tpu.memory_space<vmem>>, vector<16xi32>,
    %add3A_420 = arith.constant 48 : i32
    %add3A_421 = arith.addi %add3A_395, %add3A_420 : i32
    %add3A_422 = vector.broadcast %add3A_421 : i32 to vector<16xi32>
    %add3A_423 = arith.addi %iota3A, %add3A_422 : vector<16xi32>
    %swap3A_424 = arith.constant 48 : index
    %swap3A_425 = tpu.vector_load %arg7[%swap3A_424] {strides = array<i32>} : memref<128xi32, #tpu.memory_space<vmem>>, vector<16xi32>,
    %swap3A_426 = vector.shape_cast %swap3A_425 : vector<16xi32> to vector<16xi32>
    %swap3A_427 = vector.shape_cast %add3A_423 : vector<16xi32> to vector<16xi32>
    tpu.vector_store %arg7[%swap3A_424], %swap3A_427 {strides = array<i32>} : memref<128xi32, #tpu.memory_space<vmem>>, vector<16xi32>,
    %add3A_428 = arith.constant 64 : i32
    %add3A_429 = arith.addi %add3A_395, %add3A_428 : i32
    %add3A_430 = vector.broadcast %add3A_429 : i32 to vector<16xi32>
    %add3A_431 = arith.addi %iota3A, %add3A_430 : vector<16xi32>
    %swap3A_432 = arith.constant 64 : index
    %swap3A_433 = tpu.vector_load %arg7[%swap3A_432] {strides = array<i32>} : memref<128xi32, #tpu.memory_space<vmem>>, vector<16xi32>,
    %swap3A_434 = vector.shape_cast %swap3A_433 : vector<16xi32> to vector<16xi32>
    %swap3A_435 = vector.shape_cast %add3A_431 : vector<16xi32> to vector<16xi32>
    tpu.vector_store %arg7[%swap3A_432], %swap3A_435 {strides = array<i32>} : memref<128xi32, #tpu.memory_space<vmem>>, vector<16xi32>,
    %add3A_436 = arith.constant 80 : i32
    %add3A_437 = arith.addi %add3A_395, %add3A_436 : i32
    %add3A_438 = vector.broadcast %add3A_437 : i32 to vector<16xi32>
    %add3A_439 = arith.addi %iota3A, %add3A_438 : vector<16xi32>
    %swap3A_440 = arith.constant 80 : index
    %swap3A_441 = tpu.vector_load %arg7[%swap3A_440] {strides = array<i32>} : memref<128xi32, #tpu.memory_space<vmem>>, vector<16xi32>,
    %swap3A_442 = vector.shape_cast %swap3A_441 : vector<16xi32> to vector<16xi32>
    %swap3A_443 = vector.shape_cast %add3A_439 : vector<16xi32> to vector<16xi32>
    tpu.vector_store %arg7[%swap3A_440], %swap3A_443 {strides = array<i32>} : memref<128xi32, #tpu.memory_space<vmem>>, vector<16xi32>,
    %add3A_444 = arith.constant 96 : i32
    %add3A_445 = arith.addi %add3A_395, %add3A_444 : i32
    %add3A_446 = vector.broadcast %add3A_445 : i32 to vector<16xi32>
    %add3A_447 = arith.addi %iota3A, %add3A_446 : vector<16xi32>
    %swap3A_448 = arith.constant 96 : index
    %swap3A_449 = tpu.vector_load %arg7[%swap3A_448] {strides = array<i32>} : memref<128xi32, #tpu.memory_space<vmem>>, vector<16xi32>,
    %swap3A_450 = vector.shape_cast %swap3A_449 : vector<16xi32> to vector<16xi32>
    %swap3A_451 = vector.shape_cast %add3A_447 : vector<16xi32> to vector<16xi32>
    tpu.vector_store %arg7[%swap3A_448], %swap3A_451 {strides = array<i32>} : memref<128xi32, #tpu.memory_space<vmem>>, vector<16xi32>,
    %add3A_452 = arith.constant 112 : i32
    %add3A_453 = arith.addi %add3A_395, %add3A_452 : i32
    %add3A_454 = vector.broadcast %add3A_453 : i32 to vector<16xi32>
    %add3A_455 = arith.addi %iota3A, %add3A_454 : vector<16xi32>
    %swap3A_456 = arith.constant 112 : index
    %swap3A_457 = tpu.vector_load %arg7[%swap3A_456] {strides = array<i32>} : memref<128xi32, #tpu.memory_space<vmem>>, vector<16xi32>,
    %swap3A_458 = vector.shape_cast %swap3A_457 : vector<16xi32> to vector<16xi32>
    %swap3A_459 = vector.shape_cast %add3A_455 : vector<16xi32> to vector<16xi32>
    tpu.vector_store %arg7[%swap3A_456], %swap3A_459 {strides = array<i32>} : memref<128xi32, #tpu.memory_space<vmem>>, vector<16xi32>,
    "tpu.region"() ({
      %run_scoped3A = tpu.sem_alloc : memref<!tpu.dma_semaphore, #tpu.memory_space<semaphore_mem>>
      %dma_start3A = arith.constant 0 : i32
      %dma_start3A_734 = arith.constant 0 : i32
      %dma_start3A_735 = tpu.memref_slice %arg8[%dma_start3A, %dma_start3A_734] : memref<256x128xf32, #tpu.memory_space<vmem>> -> memref<128x128xf32, #tpu.memory_space<vmem>>
      %dma_start3A_736 = arith.constant 0 : i32
      %dma_start3A_737 = arith.constant 0 : i32
      %dma_start3A_738 = tpu.memref_slice %arg9[%dma_start3A_736, %dma_start3A_737] : memref<10240x128xf32, #tpu.memory_space<vmem_shared>> -> memref<10240x128xf32, #tpu.memory_space<vmem_shared>>
      tpu.enqueue_indirect_dma source(%dma_start3A_738 : memref<10240x128xf32, #tpu.memory_space<vmem_shared>>) target(%dma_start3A_735 : memref<128x128xf32, #tpu.memory_space<vmem>>) offsets(%arg7 : memref<128xi32, #tpu.memory_space<vmem>>) semaphore(%run_scoped3A : memref<!tpu.dma_semaphore, #tpu.memory_space<semaphore_mem>>)
      %dma_wait3A = arith.constant 0 : i32
      %dma_wait3A_739 = arith.constant 0 : i32
      %dma_wait3A_740 = tpu.memref_slice %arg8[%dma_wait3A, %dma_wait3A_739] : memref<256x128xf32, #tpu.memory_space<vmem>> -> memref<128x128xf32, #tpu.memory_space<vmem>>
      %dma_wait3A_741 = arith.constant 0 : i32
      %dma_wait3A_742 = arith.constant 0 : i32
      %dma_wait3A_743 = tpu.memref_slice %arg9[%dma_wait3A_741, %dma_wait3A_742] : memref<10240x128xf32, #tpu.memory_space<vmem_shared>> -> memref<10240x128xf32, #tpu.memory_space<vmem_shared>>
      tpu.wait_indirect_dma semaphore(%run_scoped3A : memref<!tpu.dma_semaphore, #tpu.memory_space<semaphore_mem>>) src(%dma_wait3A_743 : memref<10240x128xf32, #tpu.memory_space<vmem_shared>>) dst(%dma_wait3A_740 : memref<128x128xf32, #tpu.memory_space<vmem>>)
      tpu.yield
    }) : () -> ()
    %add3A_460 = arith.constant 0 : i32
    %add3A_461 = arith.addi %add3A_393, %add3A_460 : i32
    "tpu.region"() ({
      %run_scoped3A = tpu.sem_alloc : memref<!tpu.dma_semaphore, #tpu.memory_space<semaphore_mem>>
      %dma_start3A = arith.constant 0 : i32
      %dma_start3A_734 = arith.constant 0 : i32
      %dma_start3A_735 = tpu.memref_slice %arg8[%dma_start3A, %dma_start3A_734] : memref<256x128xf32, #tpu.memory_space<vmem>> -> memref<128x128xf32, #tpu.memory_space<vmem>>
      %dma_start3A_736 = arith.constant 0 : i32
      %dma_start3A_737 = tpu.memref_slice %arg5[%add3A_461, %dma_start3A_736] : memref<20480x128xf32, #tpu.memory_space<hbm>> -> memref<128x128xf32, #tpu.memory_space<hbm>>
      %dma_start3A_738 = arith.constant 0 : i32
      %dma_start3A_739 = tpu.memref_slice %arg5[%add3A_461, %dma_start3A_738] : memref<20480x128xf32, #tpu.memory_space<hbm>> -> memref<128x128xf32, #tpu.memory_space<hbm>>
      %dma_start3A_740 = arith.constant 0 : i32
      %dma_start3A_741 = arith.constant 0 : i32
      %dma_start3A_742 = tpu.memref_slice %arg8[%dma_start3A_740, %dma_start3A_741] : memref<256x128xf32, #tpu.memory_space<vmem>> -> memref<128x128xf32, #tpu.memory_space<vmem>>
      tpu.enqueue_dma source(%dma_start3A_742 : memref<128x128xf32, #tpu.memory_space<vmem>>) target(%dma_start3A_739 : memref<128x128xf32, #tpu.memory_space<hbm>>) target_semaphore(%run_scoped3A : memref<!tpu.dma_semaphore, #tpu.memory_space<semaphore_mem>>)
      %dma_wait3A = arith.constant 0 : i32
      %dma_wait3A_743 = arith.constant 0 : i32
      %dma_wait3A_744 = tpu.memref_slice %arg8[%dma_wait3A, %dma_wait3A_743] : memref<256x128xf32, #tpu.memory_space<vmem>> -> memref<128x128xf32, #tpu.memory_space<vmem>>
      %dma_wait3A_745 = arith.constant 0 : i32
      %dma_wait3A_746 = tpu.memref_slice %arg5[%add3A_461, %dma_wait3A_745] : memref<20480x128xf32, #tpu.memory_space<hbm>> -> memref<128x128xf32, #tpu.memory_space<hbm>>
      %dma_wait3A_747 = arith.constant 0 : i32
      %dma_wait3A_748 = tpu.memref_slice %arg5[%add3A_461, %dma_wait3A_747] : memref<20480x128xf32, #tpu.memory_space<hbm>> -> memref<128x128xf32, #tpu.memory_space<hbm>>
      %dma_wait3A_749 = arith.constant 0 : i32
      %dma_wait3A_750 = arith.constant 0 : i32
      %dma_wait3A_751 = tpu.memref_slice %arg8[%dma_wait3A_749, %dma_wait3A_750] : memref<256x128xf32, #tpu.memory_space<vmem>> -> memref<128x128xf32, #tpu.memory_space<vmem>>
      tpu.wait_dma2 semaphore(%run_scoped3A : memref<!tpu.dma_semaphore, #tpu.memory_space<semaphore_mem>>) src(%dma_wait3A_751 : memref<128x128xf32, #tpu.memory_space<vmem>>) dst(%dma_wait3A_748 : memref<128x128xf32, #tpu.memory_space<hbm>>)
      tpu.yield
    }) : () -> ()
    %add3A_462 = arith.constant 128 : i32
    %add3A_463 = arith.addi %mul3A_2, %add3A_462 : i32
    %add3A_464 = arith.constant 0 : i32
    %add3A_465 = arith.addi %add3A_463, %add3A_464 : i32
    %add3A_466 = vector.broadcast %add3A_465 : i32 to vector<16xi32>
    %add3A_467 = arith.addi %iota3A, %add3A_466 : vector<16xi32>
    %swap3A_468 = arith.constant 0 : index
    %swap3A_469 = tpu.vector_load %arg7[%swap3A_468] {strides = array<i32>} : memref<128xi32, #tpu.memory_space<vmem>>, vector<16xi32>,
    %swap3A_470 = vector.shape_cast %swap3A_469 : vector<16xi32> to vector<16xi32>
    %swap3A_471 = vector.shape_cast %add3A_467 : vector<16xi32> to vector<16xi32>
    tpu.vector_store %arg7[%swap3A_468], %swap3A_471 {strides = array<i32>} : memref<128xi32, #tpu.memory_space<vmem>>, vector<16xi32>,
    %add3A_472 = arith.constant 16 : i32
    %add3A_473 = arith.addi %add3A_463, %add3A_472 : i32
    %add3A_474 = vector.broadcast %add3A_473 : i32 to vector<16xi32>
    %add3A_475 = arith.addi %iota3A, %add3A_474 : vector<16xi32>
    %swap3A_476 = arith.constant 16 : index
    %swap3A_477 = tpu.vector_load %arg7[%swap3A_476] {strides = array<i32>} : memref<128xi32, #tpu.memory_space<vmem>>, vector<16xi32>,
    %swap3A_478 = vector.shape_cast %swap3A_477 : vector<16xi32> to vector<16xi32>
    %swap3A_479 = vector.shape_cast %add3A_475 : vector<16xi32> to vector<16xi32>
    tpu.vector_store %arg7[%swap3A_476], %swap3A_479 {strides = array<i32>} : memref<128xi32, #tpu.memory_space<vmem>>, vector<16xi32>,
    %add3A_480 = arith.constant 32 : i32
    %add3A_481 = arith.addi %add3A_463, %add3A_480 : i32
    %add3A_482 = vector.broadcast %add3A_481 : i32 to vector<16xi32>
    %add3A_483 = arith.addi %iota3A, %add3A_482 : vector<16xi32>
    %swap3A_484 = arith.constant 32 : index
    %swap3A_485 = tpu.vector_load %arg7[%swap3A_484] {strides = array<i32>} : memref<128xi32, #tpu.memory_space<vmem>>, vector<16xi32>,
    %swap3A_486 = vector.shape_cast %swap3A_485 : vector<16xi32> to vector<16xi32>
    %swap3A_487 = vector.shape_cast %add3A_483 : vector<16xi32> to vector<16xi32>
    tpu.vector_store %arg7[%swap3A_484], %swap3A_487 {strides = array<i32>} : memref<128xi32, #tpu.memory_space<vmem>>, vector<16xi32>,
    %add3A_488 = arith.constant 48 : i32
    %add3A_489 = arith.addi %add3A_463, %add3A_488 : i32
    %add3A_490 = vector.broadcast %add3A_489 : i32 to vector<16xi32>
    %add3A_491 = arith.addi %iota3A, %add3A_490 : vector<16xi32>
    %swap3A_492 = arith.constant 48 : index
    %swap3A_493 = tpu.vector_load %arg7[%swap3A_492] {strides = array<i32>} : memref<128xi32, #tpu.memory_space<vmem>>, vector<16xi32>,
    %swap3A_494 = vector.shape_cast %swap3A_493 : vector<16xi32> to vector<16xi32>
    %swap3A_495 = vector.shape_cast %add3A_491 : vector<16xi32> to vector<16xi32>
    tpu.vector_store %arg7[%swap3A_492], %swap3A_495 {strides = array<i32>} : memref<128xi32, #tpu.memory_space<vmem>>, vector<16xi32>,
    %add3A_496 = arith.constant 64 : i32
    %add3A_497 = arith.addi %add3A_463, %add3A_496 : i32
    %add3A_498 = vector.broadcast %add3A_497 : i32 to vector<16xi32>
    %add3A_499 = arith.addi %iota3A, %add3A_498 : vector<16xi32>
    %swap3A_500 = arith.constant 64 : index
    %swap3A_501 = tpu.vector_load %arg7[%swap3A_500] {strides = array<i32>} : memref<128xi32, #tpu.memory_space<vmem>>, vector<16xi32>,
    %swap3A_502 = vector.shape_cast %swap3A_501 : vector<16xi32> to vector<16xi32>
    %swap3A_503 = vector.shape_cast %add3A_499 : vector<16xi32> to vector<16xi32>
    tpu.vector_store %arg7[%swap3A_500], %swap3A_503 {strides = array<i32>} : memref<128xi32, #tpu.memory_space<vmem>>, vector<16xi32>,
    %add3A_504 = arith.constant 80 : i32
    %add3A_505 = arith.addi %add3A_463, %add3A_504 : i32
    %add3A_506 = vector.broadcast %add3A_505 : i32 to vector<16xi32>
    %add3A_507 = arith.addi %iota3A, %add3A_506 : vector<16xi32>
    %swap3A_508 = arith.constant 80 : index
    %swap3A_509 = tpu.vector_load %arg7[%swap3A_508] {strides = array<i32>} : memref<128xi32, #tpu.memory_space<vmem>>, vector<16xi32>,
    %swap3A_510 = vector.shape_cast %swap3A_509 : vector<16xi32> to vector<16xi32>
    %swap3A_511 = vector.shape_cast %add3A_507 : vector<16xi32> to vector<16xi32>
    tpu.vector_store %arg7[%swap3A_508], %swap3A_511 {strides = array<i32>} : memref<128xi32, #tpu.memory_space<vmem>>, vector<16xi32>,
    %add3A_512 = arith.constant 96 : i32
    %add3A_513 = arith.addi %add3A_463, %add3A_512 : i32
    %add3A_514 = vector.broadcast %add3A_513 : i32 to vector<16xi32>
    %add3A_515 = arith.addi %iota3A, %add3A_514 : vector<16xi32>
    %swap3A_516 = arith.constant 96 : index
    %swap3A_517 = tpu.vector_load %arg7[%swap3A_516] {strides = array<i32>} : memref<128xi32, #tpu.memory_space<vmem>>, vector<16xi32>,
    %swap3A_518 = vector.shape_cast %swap3A_517 : vector<16xi32> to vector<16xi32>
    %swap3A_519 = vector.shape_cast %add3A_515 : vector<16xi32> to vector<16xi32>
    tpu.vector_store %arg7[%swap3A_516], %swap3A_519 {strides = array<i32>} : memref<128xi32, #tpu.memory_space<vmem>>, vector<16xi32>,
    %add3A_520 = arith.constant 112 : i32
    %add3A_521 = arith.addi %add3A_463, %add3A_520 : i32
    %add3A_522 = vector.broadcast %add3A_521 : i32 to vector<16xi32>
    %add3A_523 = arith.addi %iota3A, %add3A_522 : vector<16xi32>
    %swap3A_524 = arith.constant 112 : index
    %swap3A_525 = tpu.vector_load %arg7[%swap3A_524] {strides = array<i32>} : memref<128xi32, #tpu.memory_space<vmem>>, vector<16xi32>,
    %swap3A_526 = vector.shape_cast %swap3A_525 : vector<16xi32> to vector<16xi32>
    %swap3A_527 = vector.shape_cast %add3A_523 : vector<16xi32> to vector<16xi32>
    tpu.vector_store %arg7[%swap3A_524], %swap3A_527 {strides = array<i32>} : memref<128xi32, #tpu.memory_space<vmem>>, vector<16xi32>,
    "tpu.region"() ({
      %run_scoped3A = tpu.sem_alloc : memref<!tpu.dma_semaphore, #tpu.memory_space<semaphore_mem>>
      %dma_start3A = arith.constant 0 : i32
      %dma_start3A_734 = arith.constant 0 : i32
      %dma_start3A_735 = tpu.memref_slice %arg8[%dma_start3A, %dma_start3A_734] : memref<256x128xf32, #tpu.memory_space<vmem>> -> memref<128x128xf32, #tpu.memory_space<vmem>>
      %dma_start3A_736 = arith.constant 0 : i32
      %dma_start3A_737 = arith.constant 0 : i32
      %dma_start3A_738 = tpu.memref_slice %arg9[%dma_start3A_736, %dma_start3A_737] : memref<10240x128xf32, #tpu.memory_space<vmem_shared>> -> memref<10240x128xf32, #tpu.memory_space<vmem_shared>>
      tpu.enqueue_indirect_dma source(%dma_start3A_738 : memref<10240x128xf32, #tpu.memory_space<vmem_shared>>) target(%dma_start3A_735 : memref<128x128xf32, #tpu.memory_space<vmem>>) offsets(%arg7 : memref<128xi32, #tpu.memory_space<vmem>>) semaphore(%run_scoped3A : memref<!tpu.dma_semaphore, #tpu.memory_space<semaphore_mem>>)
      %dma_wait3A = arith.constant 0 : i32
      %dma_wait3A_739 = arith.constant 0 : i32
      %dma_wait3A_740 = tpu.memref_slice %arg8[%dma_wait3A, %dma_wait3A_739] : memref<256x128xf32, #tpu.memory_space<vmem>> -> memref<128x128xf32, #tpu.memory_space<vmem>>
      %dma_wait3A_741 = arith.constant 0 : i32
      %dma_wait3A_742 = arith.constant 0 : i32
      %dma_wait3A_743 = tpu.memref_slice %arg9[%dma_wait3A_741, %dma_wait3A_742] : memref<10240x128xf32, #tpu.memory_space<vmem_shared>> -> memref<10240x128xf32, #tpu.memory_space<vmem_shared>>
      tpu.wait_indirect_dma semaphore(%run_scoped3A : memref<!tpu.dma_semaphore, #tpu.memory_space<semaphore_mem>>) src(%dma_wait3A_743 : memref<10240x128xf32, #tpu.memory_space<vmem_shared>>) dst(%dma_wait3A_740 : memref<128x128xf32, #tpu.memory_space<vmem>>)
      tpu.yield
    }) : () -> ()
    %add3A_528 = arith.constant 128 : i32
    %add3A_529 = arith.addi %add3A_393, %add3A_528 : i32
    "tpu.region"() ({
      %run_scoped3A = tpu.sem_alloc : memref<!tpu.dma_semaphore, #tpu.memory_space<semaphore_mem>>
      %dma_start3A = arith.constant 0 : i32
      %dma_start3A_734 = arith.constant 0 : i32
      %dma_start3A_735 = tpu.memref_slice %arg8[%dma_start3A, %dma_start3A_734] : memref<256x128xf32, #tpu.memory_space<vmem>> -> memref<128x128xf32, #tpu.memory_space<vmem>>
      %dma_start3A_736 = arith.constant 0 : i32
      %dma_start3A_737 = tpu.memref_slice %arg5[%add3A_529, %dma_start3A_736] : memref<20480x128xf32, #tpu.memory_space<hbm>> -> memref<128x128xf32, #tpu.memory_space<hbm>>
      %dma_start3A_738 = arith.constant 0 : i32
      %dma_start3A_739 = tpu.memref_slice %arg5[%add3A_529, %dma_start3A_738] : memref<20480x128xf32, #tpu.memory_space<hbm>> -> memref<128x128xf32, #tpu.memory_space<hbm>>
      %dma_start3A_740 = arith.constant 0 : i32
      %dma_start3A_741 = arith.constant 0 : i32
      %dma_start3A_742 = tpu.memref_slice %arg8[%dma_start3A_740, %dma_start3A_741] : memref<256x128xf32, #tpu.memory_space<vmem>> -> memref<128x128xf32, #tpu.memory_space<vmem>>
      tpu.enqueue_dma source(%dma_start3A_742 : memref<128x128xf32, #tpu.memory_space<vmem>>) target(%dma_start3A_739 : memref<128x128xf32, #tpu.memory_space<hbm>>) target_semaphore(%run_scoped3A : memref<!tpu.dma_semaphore, #tpu.memory_space<semaphore_mem>>)
      %dma_wait3A = arith.constant 0 : i32
      %dma_wait3A_743 = arith.constant 0 : i32
      %dma_wait3A_744 = tpu.memref_slice %arg8[%dma_wait3A, %dma_wait3A_743] : memref<256x128xf32, #tpu.memory_space<vmem>> -> memref<128x128xf32, #tpu.memory_space<vmem>>
      %dma_wait3A_745 = arith.constant 0 : i32
      %dma_wait3A_746 = tpu.memref_slice %arg5[%add3A_529, %dma_wait3A_745] : memref<20480x128xf32, #tpu.memory_space<hbm>> -> memref<128x128xf32, #tpu.memory_space<hbm>>
      %dma_wait3A_747 = arith.constant 0 : i32
      %dma_wait3A_748 = tpu.memref_slice %arg5[%add3A_529, %dma_wait3A_747] : memref<20480x128xf32, #tpu.memory_space<hbm>> -> memref<128x128xf32, #tpu.memory_space<hbm>>
      %dma_wait3A_749 = arith.constant 0 : i32
      %dma_wait3A_750 = arith.constant 0 : i32
      %dma_wait3A_751 = tpu.memref_slice %arg8[%dma_wait3A_749, %dma_wait3A_750] : memref<256x128xf32, #tpu.memory_space<vmem>> -> memref<128x128xf32, #tpu.memory_space<vmem>>
      tpu.wait_dma2 semaphore(%run_scoped3A : memref<!tpu.dma_semaphore, #tpu.memory_space<semaphore_mem>>) src(%dma_wait3A_751 : memref<128x128xf32, #tpu.memory_space<vmem>>) dst(%dma_wait3A_748 : memref<128x128xf32, #tpu.memory_space<hbm>>)
      tpu.yield
    }) : () -> ()
    %add3A_530 = arith.constant 256 : i32
    %add3A_531 = arith.addi %mul3A_2, %add3A_530 : i32
    %add3A_532 = arith.constant 0 : i32
    %add3A_533 = arith.addi %add3A_531, %add3A_532 : i32
    %add3A_534 = vector.broadcast %add3A_533 : i32 to vector<16xi32>
    %add3A_535 = arith.addi %iota3A, %add3A_534 : vector<16xi32>
    %swap3A_536 = arith.constant 0 : index
    %swap3A_537 = tpu.vector_load %arg7[%swap3A_536] {strides = array<i32>} : memref<128xi32, #tpu.memory_space<vmem>>, vector<16xi32>,
    %swap3A_538 = vector.shape_cast %swap3A_537 : vector<16xi32> to vector<16xi32>
    %swap3A_539 = vector.shape_cast %add3A_535 : vector<16xi32> to vector<16xi32>
    tpu.vector_store %arg7[%swap3A_536], %swap3A_539 {strides = array<i32>} : memref<128xi32, #tpu.memory_space<vmem>>, vector<16xi32>,
    %add3A_540 = arith.constant 16 : i32
    %add3A_541 = arith.addi %add3A_531, %add3A_540 : i32
    %add3A_542 = vector.broadcast %add3A_541 : i32 to vector<16xi32>
    %add3A_543 = arith.addi %iota3A, %add3A_542 : vector<16xi32>
    %swap3A_544 = arith.constant 16 : index
    %swap3A_545 = tpu.vector_load %arg7[%swap3A_544] {strides = array<i32>} : memref<128xi32, #tpu.memory_space<vmem>>, vector<16xi32>,
    %swap3A_546 = vector.shape_cast %swap3A_545 : vector<16xi32> to vector<16xi32>
    %swap3A_547 = vector.shape_cast %add3A_543 : vector<16xi32> to vector<16xi32>
    tpu.vector_store %arg7[%swap3A_544], %swap3A_547 {strides = array<i32>} : memref<128xi32, #tpu.memory_space<vmem>>, vector<16xi32>,
    %add3A_548 = arith.constant 32 : i32
    %add3A_549 = arith.addi %add3A_531, %add3A_548 : i32
    %add3A_550 = vector.broadcast %add3A_549 : i32 to vector<16xi32>
    %add3A_551 = arith.addi %iota3A, %add3A_550 : vector<16xi32>
    %swap3A_552 = arith.constant 32 : index
    %swap3A_553 = tpu.vector_load %arg7[%swap3A_552] {strides = array<i32>} : memref<128xi32, #tpu.memory_space<vmem>>, vector<16xi32>,
    %swap3A_554 = vector.shape_cast %swap3A_553 : vector<16xi32> to vector<16xi32>
    %swap3A_555 = vector.shape_cast %add3A_551 : vector<16xi32> to vector<16xi32>
    tpu.vector_store %arg7[%swap3A_552], %swap3A_555 {strides = array<i32>} : memref<128xi32, #tpu.memory_space<vmem>>, vector<16xi32>,
    %add3A_556 = arith.constant 48 : i32
    %add3A_557 = arith.addi %add3A_531, %add3A_556 : i32
    %add3A_558 = vector.broadcast %add3A_557 : i32 to vector<16xi32>
    %add3A_559 = arith.addi %iota3A, %add3A_558 : vector<16xi32>
    %swap3A_560 = arith.constant 48 : index
    %swap3A_561 = tpu.vector_load %arg7[%swap3A_560] {strides = array<i32>} : memref<128xi32, #tpu.memory_space<vmem>>, vector<16xi32>,
    %swap3A_562 = vector.shape_cast %swap3A_561 : vector<16xi32> to vector<16xi32>
    %swap3A_563 = vector.shape_cast %add3A_559 : vector<16xi32> to vector<16xi32>
    tpu.vector_store %arg7[%swap3A_560], %swap3A_563 {strides = array<i32>} : memref<128xi32, #tpu.memory_space<vmem>>, vector<16xi32>,
    %add3A_564 = arith.constant 64 : i32
    %add3A_565 = arith.addi %add3A_531, %add3A_564 : i32
    %add3A_566 = vector.broadcast %add3A_565 : i32 to vector<16xi32>
    %add3A_567 = arith.addi %iota3A, %add3A_566 : vector<16xi32>
    %swap3A_568 = arith.constant 64 : index
    %swap3A_569 = tpu.vector_load %arg7[%swap3A_568] {strides = array<i32>} : memref<128xi32, #tpu.memory_space<vmem>>, vector<16xi32>,
    %swap3A_570 = vector.shape_cast %swap3A_569 : vector<16xi32> to vector<16xi32>
    %swap3A_571 = vector.shape_cast %add3A_567 : vector<16xi32> to vector<16xi32>
    tpu.vector_store %arg7[%swap3A_568], %swap3A_571 {strides = array<i32>} : memref<128xi32, #tpu.memory_space<vmem>>, vector<16xi32>,
    %add3A_572 = arith.constant 80 : i32
    %add3A_573 = arith.addi %add3A_531, %add3A_572 : i32
    %add3A_574 = vector.broadcast %add3A_573 : i32 to vector<16xi32>
    %add3A_575 = arith.addi %iota3A, %add3A_574 : vector<16xi32>
    %swap3A_576 = arith.constant 80 : index
    %swap3A_577 = tpu.vector_load %arg7[%swap3A_576] {strides = array<i32>} : memref<128xi32, #tpu.memory_space<vmem>>, vector<16xi32>,
    %swap3A_578 = vector.shape_cast %swap3A_577 : vector<16xi32> to vector<16xi32>
    %swap3A_579 = vector.shape_cast %add3A_575 : vector<16xi32> to vector<16xi32>
    tpu.vector_store %arg7[%swap3A_576], %swap3A_579 {strides = array<i32>} : memref<128xi32, #tpu.memory_space<vmem>>, vector<16xi32>,
    %add3A_580 = arith.constant 96 : i32
    %add3A_581 = arith.addi %add3A_531, %add3A_580 : i32
    %add3A_582 = vector.broadcast %add3A_581 : i32 to vector<16xi32>
    %add3A_583 = arith.addi %iota3A, %add3A_582 : vector<16xi32>
    %swap3A_584 = arith.constant 96 : index
    %swap3A_585 = tpu.vector_load %arg7[%swap3A_584] {strides = array<i32>} : memref<128xi32, #tpu.memory_space<vmem>>, vector<16xi32>,
    %swap3A_586 = vector.shape_cast %swap3A_585 : vector<16xi32> to vector<16xi32>
    %swap3A_587 = vector.shape_cast %add3A_583 : vector<16xi32> to vector<16xi32>
    tpu.vector_store %arg7[%swap3A_584], %swap3A_587 {strides = array<i32>} : memref<128xi32, #tpu.memory_space<vmem>>, vector<16xi32>,
    %add3A_588 = arith.constant 112 : i32
    %add3A_589 = arith.addi %add3A_531, %add3A_588 : i32
    %add3A_590 = vector.broadcast %add3A_589 : i32 to vector<16xi32>
    %add3A_591 = arith.addi %iota3A, %add3A_590 : vector<16xi32>
    %swap3A_592 = arith.constant 112 : index
    %swap3A_593 = tpu.vector_load %arg7[%swap3A_592] {strides = array<i32>} : memref<128xi32, #tpu.memory_space<vmem>>, vector<16xi32>,
    %swap3A_594 = vector.shape_cast %swap3A_593 : vector<16xi32> to vector<16xi32>
    %swap3A_595 = vector.shape_cast %add3A_591 : vector<16xi32> to vector<16xi32>
    tpu.vector_store %arg7[%swap3A_592], %swap3A_595 {strides = array<i32>} : memref<128xi32, #tpu.memory_space<vmem>>, vector<16xi32>,
    "tpu.region"() ({
      %run_scoped3A = tpu.sem_alloc : memref<!tpu.dma_semaphore, #tpu.memory_space<semaphore_mem>>
      %dma_start3A = arith.constant 0 : i32
      %dma_start3A_734 = arith.constant 0 : i32
      %dma_start3A_735 = tpu.memref_slice %arg8[%dma_start3A, %dma_start3A_734] : memref<256x128xf32, #tpu.memory_space<vmem>> -> memref<128x128xf32, #tpu.memory_space<vmem>>
      %dma_start3A_736 = arith.constant 0 : i32
      %dma_start3A_737 = arith.constant 0 : i32
      %dma_start3A_738 = tpu.memref_slice %arg9[%dma_start3A_736, %dma_start3A_737] : memref<10240x128xf32, #tpu.memory_space<vmem_shared>> -> memref<10240x128xf32, #tpu.memory_space<vmem_shared>>
      tpu.enqueue_indirect_dma source(%dma_start3A_738 : memref<10240x128xf32, #tpu.memory_space<vmem_shared>>) target(%dma_start3A_735 : memref<128x128xf32, #tpu.memory_space<vmem>>) offsets(%arg7 : memref<128xi32, #tpu.memory_space<vmem>>) semaphore(%run_scoped3A : memref<!tpu.dma_semaphore, #tpu.memory_space<semaphore_mem>>)
      %dma_wait3A = arith.constant 0 : i32
      %dma_wait3A_739 = arith.constant 0 : i32
      %dma_wait3A_740 = tpu.memref_slice %arg8[%dma_wait3A, %dma_wait3A_739] : memref<256x128xf32, #tpu.memory_space<vmem>> -> memref<128x128xf32, #tpu.memory_space<vmem>>
      %dma_wait3A_741 = arith.constant 0 : i32
      %dma_wait3A_742 = arith.constant 0 : i32
      %dma_wait3A_743 = tpu.memref_slice %arg9[%dma_wait3A_741, %dma_wait3A_742] : memref<10240x128xf32, #tpu.memory_space<vmem_shared>> -> memref<10240x128xf32, #tpu.memory_space<vmem_shared>>
      tpu.wait_indirect_dma semaphore(%run_scoped3A : memref<!tpu.dma_semaphore, #tpu.memory_space<semaphore_mem>>) src(%dma_wait3A_743 : memref<10240x128xf32, #tpu.memory_space<vmem_shared>>) dst(%dma_wait3A_740 : memref<128x128xf32, #tpu.memory_space<vmem>>)
      tpu.yield
    }) : () -> ()
    %add3A_596 = arith.constant 256 : i32
    %add3A_597 = arith.addi %add3A_393, %add3A_596 : i32
    "tpu.region"() ({
      %run_scoped3A = tpu.sem_alloc : memref<!tpu.dma_semaphore, #tpu.memory_space<semaphore_mem>>
      %dma_start3A = arith.constant 0 : i32
      %dma_start3A_734 = arith.constant 0 : i32
      %dma_start3A_735 = tpu.memref_slice %arg8[%dma_start3A, %dma_start3A_734] : memref<256x128xf32, #tpu.memory_space<vmem>> -> memref<128x128xf32, #tpu.memory_space<vmem>>
      %dma_start3A_736 = arith.constant 0 : i32
      %dma_start3A_737 = tpu.memref_slice %arg5[%add3A_597, %dma_start3A_736] : memref<20480x128xf32, #tpu.memory_space<hbm>> -> memref<128x128xf32, #tpu.memory_space<hbm>>
      %dma_start3A_738 = arith.constant 0 : i32
      %dma_start3A_739 = tpu.memref_slice %arg5[%add3A_597, %dma_start3A_738] : memref<20480x128xf32, #tpu.memory_space<hbm>> -> memref<128x128xf32, #tpu.memory_space<hbm>>
      %dma_start3A_740 = arith.constant 0 : i32
      %dma_start3A_741 = arith.constant 0 : i32
      %dma_start3A_742 = tpu.memref_slice %arg8[%dma_start3A_740, %dma_start3A_741] : memref<256x128xf32, #tpu.memory_space<vmem>> -> memref<128x128xf32, #tpu.memory_space<vmem>>
      tpu.enqueue_dma source(%dma_start3A_742 : memref<128x128xf32, #tpu.memory_space<vmem>>) target(%dma_start3A_739 : memref<128x128xf32, #tpu.memory_space<hbm>>) target_semaphore(%run_scoped3A : memref<!tpu.dma_semaphore, #tpu.memory_space<semaphore_mem>>)
      %dma_wait3A = arith.constant 0 : i32
      %dma_wait3A_743 = arith.constant 0 : i32
      %dma_wait3A_744 = tpu.memref_slice %arg8[%dma_wait3A, %dma_wait3A_743] : memref<256x128xf32, #tpu.memory_space<vmem>> -> memref<128x128xf32, #tpu.memory_space<vmem>>
      %dma_wait3A_745 = arith.constant 0 : i32
      %dma_wait3A_746 = tpu.memref_slice %arg5[%add3A_597, %dma_wait3A_745] : memref<20480x128xf32, #tpu.memory_space<hbm>> -> memref<128x128xf32, #tpu.memory_space<hbm>>
      %dma_wait3A_747 = arith.constant 0 : i32
      %dma_wait3A_748 = tpu.memref_slice %arg5[%add3A_597, %dma_wait3A_747] : memref<20480x128xf32, #tpu.memory_space<hbm>> -> memref<128x128xf32, #tpu.memory_space<hbm>>
      %dma_wait3A_749 = arith.constant 0 : i32
      %dma_wait3A_750 = arith.constant 0 : i32
      %dma_wait3A_751 = tpu.memref_slice %arg8[%dma_wait3A_749, %dma_wait3A_750] : memref<256x128xf32, #tpu.memory_space<vmem>> -> memref<128x128xf32, #tpu.memory_space<vmem>>
      tpu.wait_dma2 semaphore(%run_scoped3A : memref<!tpu.dma_semaphore, #tpu.memory_space<semaphore_mem>>) src(%dma_wait3A_751 : memref<128x128xf32, #tpu.memory_space<vmem>>) dst(%dma_wait3A_748 : memref<128x128xf32, #tpu.memory_space<hbm>>)
      tpu.yield
    }) : () -> ()
    %add3A_598 = arith.constant 384 : i32
    %add3A_599 = arith.addi %mul3A_2, %add3A_598 : i32
    %add3A_600 = arith.constant 0 : i32
    %add3A_601 = arith.addi %add3A_599, %add3A_600 : i32
    %add3A_602 = vector.broadcast %add3A_601 : i32 to vector<16xi32>
    %add3A_603 = arith.addi %iota3A, %add3A_602 : vector<16xi32>
    %swap3A_604 = arith.constant 0 : index
    %swap3A_605 = tpu.vector_load %arg7[%swap3A_604] {strides = array<i32>} : memref<128xi32, #tpu.memory_space<vmem>>, vector<16xi32>,
    %swap3A_606 = vector.shape_cast %swap3A_605 : vector<16xi32> to vector<16xi32>
    %swap3A_607 = vector.shape_cast %add3A_603 : vector<16xi32> to vector<16xi32>
    tpu.vector_store %arg7[%swap3A_604], %swap3A_607 {strides = array<i32>} : memref<128xi32, #tpu.memory_space<vmem>>, vector<16xi32>,
    %add3A_608 = arith.constant 16 : i32
    %add3A_609 = arith.addi %add3A_599, %add3A_608 : i32
    %add3A_610 = vector.broadcast %add3A_609 : i32 to vector<16xi32>
    %add3A_611 = arith.addi %iota3A, %add3A_610 : vector<16xi32>
    %swap3A_612 = arith.constant 16 : index
    %swap3A_613 = tpu.vector_load %arg7[%swap3A_612] {strides = array<i32>} : memref<128xi32, #tpu.memory_space<vmem>>, vector<16xi32>,
    %swap3A_614 = vector.shape_cast %swap3A_613 : vector<16xi32> to vector<16xi32>
    %swap3A_615 = vector.shape_cast %add3A_611 : vector<16xi32> to vector<16xi32>
    tpu.vector_store %arg7[%swap3A_612], %swap3A_615 {strides = array<i32>} : memref<128xi32, #tpu.memory_space<vmem>>, vector<16xi32>,
    %add3A_616 = arith.constant 32 : i32
    %add3A_617 = arith.addi %add3A_599, %add3A_616 : i32
    %add3A_618 = vector.broadcast %add3A_617 : i32 to vector<16xi32>
    %add3A_619 = arith.addi %iota3A, %add3A_618 : vector<16xi32>
    %swap3A_620 = arith.constant 32 : index
    %swap3A_621 = tpu.vector_load %arg7[%swap3A_620] {strides = array<i32>} : memref<128xi32, #tpu.memory_space<vmem>>, vector<16xi32>,
    %swap3A_622 = vector.shape_cast %swap3A_621 : vector<16xi32> to vector<16xi32>
    %swap3A_623 = vector.shape_cast %add3A_619 : vector<16xi32> to vector<16xi32>
    tpu.vector_store %arg7[%swap3A_620], %swap3A_623 {strides = array<i32>} : memref<128xi32, #tpu.memory_space<vmem>>, vector<16xi32>,
    %add3A_624 = arith.constant 48 : i32
    %add3A_625 = arith.addi %add3A_599, %add3A_624 : i32
    %add3A_626 = vector.broadcast %add3A_625 : i32 to vector<16xi32>
    %add3A_627 = arith.addi %iota3A, %add3A_626 : vector<16xi32>
    %swap3A_628 = arith.constant 48 : index
    %swap3A_629 = tpu.vector_load %arg7[%swap3A_628] {strides = array<i32>} : memref<128xi32, #tpu.memory_space<vmem>>, vector<16xi32>,
    %swap3A_630 = vector.shape_cast %swap3A_629 : vector<16xi32> to vector<16xi32>
    %swap3A_631 = vector.shape_cast %add3A_627 : vector<16xi32> to vector<16xi32>
    tpu.vector_store %arg7[%swap3A_628], %swap3A_631 {strides = array<i32>} : memref<128xi32, #tpu.memory_space<vmem>>, vector<16xi32>,
    %add3A_632 = arith.constant 64 : i32
    %add3A_633 = arith.addi %add3A_599, %add3A_632 : i32
    %add3A_634 = vector.broadcast %add3A_633 : i32 to vector<16xi32>
    %add3A_635 = arith.addi %iota3A, %add3A_634 : vector<16xi32>
    %swap3A_636 = arith.constant 64 : index
    %swap3A_637 = tpu.vector_load %arg7[%swap3A_636] {strides = array<i32>} : memref<128xi32, #tpu.memory_space<vmem>>, vector<16xi32>,
    %swap3A_638 = vector.shape_cast %swap3A_637 : vector<16xi32> to vector<16xi32>
    %swap3A_639 = vector.shape_cast %add3A_635 : vector<16xi32> to vector<16xi32>
    tpu.vector_store %arg7[%swap3A_636], %swap3A_639 {strides = array<i32>} : memref<128xi32, #tpu.memory_space<vmem>>, vector<16xi32>,
    %add3A_640 = arith.constant 80 : i32
    %add3A_641 = arith.addi %add3A_599, %add3A_640 : i32
    %add3A_642 = vector.broadcast %add3A_641 : i32 to vector<16xi32>
    %add3A_643 = arith.addi %iota3A, %add3A_642 : vector<16xi32>
    %swap3A_644 = arith.constant 80 : index
    %swap3A_645 = tpu.vector_load %arg7[%swap3A_644] {strides = array<i32>} : memref<128xi32, #tpu.memory_space<vmem>>, vector<16xi32>,
    %swap3A_646 = vector.shape_cast %swap3A_645 : vector<16xi32> to vector<16xi32>
    %swap3A_647 = vector.shape_cast %add3A_643 : vector<16xi32> to vector<16xi32>
    tpu.vector_store %arg7[%swap3A_644], %swap3A_647 {strides = array<i32>} : memref<128xi32, #tpu.memory_space<vmem>>, vector<16xi32>,
    %add3A_648 = arith.constant 96 : i32
    %add3A_649 = arith.addi %add3A_599, %add3A_648 : i32
    %add3A_650 = vector.broadcast %add3A_649 : i32 to vector<16xi32>
    %add3A_651 = arith.addi %iota3A, %add3A_650 : vector<16xi32>
    %swap3A_652 = arith.constant 96 : index
    %swap3A_653 = tpu.vector_load %arg7[%swap3A_652] {strides = array<i32>} : memref<128xi32, #tpu.memory_space<vmem>>, vector<16xi32>,
    %swap3A_654 = vector.shape_cast %swap3A_653 : vector<16xi32> to vector<16xi32>
    %swap3A_655 = vector.shape_cast %add3A_651 : vector<16xi32> to vector<16xi32>
    tpu.vector_store %arg7[%swap3A_652], %swap3A_655 {strides = array<i32>} : memref<128xi32, #tpu.memory_space<vmem>>, vector<16xi32>,
    %add3A_656 = arith.constant 112 : i32
    %add3A_657 = arith.addi %add3A_599, %add3A_656 : i32
    %add3A_658 = vector.broadcast %add3A_657 : i32 to vector<16xi32>
    %add3A_659 = arith.addi %iota3A, %add3A_658 : vector<16xi32>
    %swap3A_660 = arith.constant 112 : index
    %swap3A_661 = tpu.vector_load %arg7[%swap3A_660] {strides = array<i32>} : memref<128xi32, #tpu.memory_space<vmem>>, vector<16xi32>,
    %swap3A_662 = vector.shape_cast %swap3A_661 : vector<16xi32> to vector<16xi32>
    %swap3A_663 = vector.shape_cast %add3A_659 : vector<16xi32> to vector<16xi32>
    tpu.vector_store %arg7[%swap3A_660], %swap3A_663 {strides = array<i32>} : memref<128xi32, #tpu.memory_space<vmem>>, vector<16xi32>,
    "tpu.region"() ({
      %run_scoped3A = tpu.sem_alloc : memref<!tpu.dma_semaphore, #tpu.memory_space<semaphore_mem>>
      %dma_start3A = arith.constant 0 : i32
      %dma_start3A_734 = arith.constant 0 : i32
      %dma_start3A_735 = tpu.memref_slice %arg8[%dma_start3A, %dma_start3A_734] : memref<256x128xf32, #tpu.memory_space<vmem>> -> memref<128x128xf32, #tpu.memory_space<vmem>>
      %dma_start3A_736 = arith.constant 0 : i32
      %dma_start3A_737 = arith.constant 0 : i32
      %dma_start3A_738 = tpu.memref_slice %arg9[%dma_start3A_736, %dma_start3A_737] : memref<10240x128xf32, #tpu.memory_space<vmem_shared>> -> memref<10240x128xf32, #tpu.memory_space<vmem_shared>>
      tpu.enqueue_indirect_dma source(%dma_start3A_738 : memref<10240x128xf32, #tpu.memory_space<vmem_shared>>) target(%dma_start3A_735 : memref<128x128xf32, #tpu.memory_space<vmem>>) offsets(%arg7 : memref<128xi32, #tpu.memory_space<vmem>>) semaphore(%run_scoped3A : memref<!tpu.dma_semaphore, #tpu.memory_space<semaphore_mem>>)
      %dma_wait3A = arith.constant 0 : i32
      %dma_wait3A_739 = arith.constant 0 : i32
      %dma_wait3A_740 = tpu.memref_slice %arg8[%dma_wait3A, %dma_wait3A_739] : memref<256x128xf32, #tpu.memory_space<vmem>> -> memref<128x128xf32, #tpu.memory_space<vmem>>
      %dma_wait3A_741 = arith.constant 0 : i32
      %dma_wait3A_742 = arith.constant 0 : i32
      %dma_wait3A_743 = tpu.memref_slice %arg9[%dma_wait3A_741, %dma_wait3A_742] : memref<10240x128xf32, #tpu.memory_space<vmem_shared>> -> memref<10240x128xf32, #tpu.memory_space<vmem_shared>>
      tpu.wait_indirect_dma semaphore(%run_scoped3A : memref<!tpu.dma_semaphore, #tpu.memory_space<semaphore_mem>>) src(%dma_wait3A_743 : memref<10240x128xf32, #tpu.memory_space<vmem_shared>>) dst(%dma_wait3A_740 : memref<128x128xf32, #tpu.memory_space<vmem>>)
      tpu.yield
    }) : () -> ()
    %add3A_664 = arith.constant 384 : i32
    %add3A_665 = arith.addi %add3A_393, %add3A_664 : i32
    "tpu.region"() ({
      %run_scoped3A = tpu.sem_alloc : memref<!tpu.dma_semaphore, #tpu.memory_space<semaphore_mem>>
      %dma_start3A = arith.constant 0 : i32
      %dma_start3A_734 = arith.constant 0 : i32
      %dma_start3A_735 = tpu.memref_slice %arg8[%dma_start3A, %dma_start3A_734] : memref<256x128xf32, #tpu.memory_space<vmem>> -> memref<128x128xf32, #tpu.memory_space<vmem>>
      %dma_start3A_736 = arith.constant 0 : i32
      %dma_start3A_737 = tpu.memref_slice %arg5[%add3A_665, %dma_start3A_736] : memref<20480x128xf32, #tpu.memory_space<hbm>> -> memref<128x128xf32, #tpu.memory_space<hbm>>
      %dma_start3A_738 = arith.constant 0 : i32
      %dma_start3A_739 = tpu.memref_slice %arg5[%add3A_665, %dma_start3A_738] : memref<20480x128xf32, #tpu.memory_space<hbm>> -> memref<128x128xf32, #tpu.memory_space<hbm>>
      %dma_start3A_740 = arith.constant 0 : i32
      %dma_start3A_741 = arith.constant 0 : i32
      %dma_start3A_742 = tpu.memref_slice %arg8[%dma_start3A_740, %dma_start3A_741] : memref<256x128xf32, #tpu.memory_space<vmem>> -> memref<128x128xf32, #tpu.memory_space<vmem>>
      tpu.enqueue_dma source(%dma_start3A_742 : memref<128x128xf32, #tpu.memory_space<vmem>>) target(%dma_start3A_739 : memref<128x128xf32, #tpu.memory_space<hbm>>) target_semaphore(%run_scoped3A : memref<!tpu.dma_semaphore, #tpu.memory_space<semaphore_mem>>)
      %dma_wait3A = arith.constant 0 : i32
      %dma_wait3A_743 = arith.constant 0 : i32
      %dma_wait3A_744 = tpu.memref_slice %arg8[%dma_wait3A, %dma_wait3A_743] : memref<256x128xf32, #tpu.memory_space<vmem>> -> memref<128x128xf32, #tpu.memory_space<vmem>>
      %dma_wait3A_745 = arith.constant 0 : i32
      %dma_wait3A_746 = tpu.memref_slice %arg5[%add3A_665, %dma_wait3A_745] : memref<20480x128xf32, #tpu.memory_space<hbm>> -> memref<128x128xf32, #tpu.memory_space<hbm>>
      %dma_wait3A_747 = arith.constant 0 : i32
      %dma_wait3A_748 = tpu.memref_slice %arg5[%add3A_665, %dma_wait3A_747] : memref<20480x128xf32, #tpu.memory_space<hbm>> -> memref<128x128xf32, #tpu.memory_space<hbm>>
      %dma_wait3A_749 = arith.constant 0 : i32
      %dma_wait3A_750 = arith.constant 0 : i32
      %dma_wait3A_751 = tpu.memref_slice %arg8[%dma_wait3A_749, %dma_wait3A_750] : memref<256x128xf32, #tpu.memory_space<vmem>> -> memref<128x128xf32, #tpu.memory_space<vmem>>
      tpu.wait_dma2 semaphore(%run_scoped3A : memref<!tpu.dma_semaphore, #tpu.memory_space<semaphore_mem>>) src(%dma_wait3A_751 : memref<128x128xf32, #tpu.memory_space<vmem>>) dst(%dma_wait3A_748 : memref<128x128xf32, #tpu.memory_space<hbm>>)
      tpu.yield
    }) : () -> ()
    %add3A_666 = arith.constant 512 : i32
    %add3A_667 = arith.addi %mul3A_2, %add3A_666 : i32
    %add3A_668 = arith.constant 0 : i32
    %add3A_669 = arith.addi %add3A_667, %add3A_668 : i32
    %add3A_670 = vector.broadcast %add3A_669 : i32 to vector<16xi32>
    %add3A_671 = arith.addi %iota3A, %add3A_670 : vector<16xi32>
    %swap3A_672 = arith.constant 0 : index
    %swap3A_673 = tpu.vector_load %arg7[%swap3A_672] {strides = array<i32>} : memref<128xi32, #tpu.memory_space<vmem>>, vector<16xi32>,
    %swap3A_674 = vector.shape_cast %swap3A_673 : vector<16xi32> to vector<16xi32>
    %swap3A_675 = vector.shape_cast %add3A_671 : vector<16xi32> to vector<16xi32>
    tpu.vector_store %arg7[%swap3A_672], %swap3A_675 {strides = array<i32>} : memref<128xi32, #tpu.memory_space<vmem>>, vector<16xi32>,
    %add3A_676 = arith.constant 16 : i32
    %add3A_677 = arith.addi %add3A_667, %add3A_676 : i32
    %add3A_678 = vector.broadcast %add3A_677 : i32 to vector<16xi32>
    %add3A_679 = arith.addi %iota3A, %add3A_678 : vector<16xi32>
    %swap3A_680 = arith.constant 16 : index
    %swap3A_681 = tpu.vector_load %arg7[%swap3A_680] {strides = array<i32>} : memref<128xi32, #tpu.memory_space<vmem>>, vector<16xi32>,
    %swap3A_682 = vector.shape_cast %swap3A_681 : vector<16xi32> to vector<16xi32>
    %swap3A_683 = vector.shape_cast %add3A_679 : vector<16xi32> to vector<16xi32>
    tpu.vector_store %arg7[%swap3A_680], %swap3A_683 {strides = array<i32>} : memref<128xi32, #tpu.memory_space<vmem>>, vector<16xi32>,
    %add3A_684 = arith.constant 32 : i32
    %add3A_685 = arith.addi %add3A_667, %add3A_684 : i32
    %add3A_686 = vector.broadcast %add3A_685 : i32 to vector<16xi32>
    %add3A_687 = arith.addi %iota3A, %add3A_686 : vector<16xi32>
    %swap3A_688 = arith.constant 32 : index
    %swap3A_689 = tpu.vector_load %arg7[%swap3A_688] {strides = array<i32>} : memref<128xi32, #tpu.memory_space<vmem>>, vector<16xi32>,
    %swap3A_690 = vector.shape_cast %swap3A_689 : vector<16xi32> to vector<16xi32>
    %swap3A_691 = vector.shape_cast %add3A_687 : vector<16xi32> to vector<16xi32>
    tpu.vector_store %arg7[%swap3A_688], %swap3A_691 {strides = array<i32>} : memref<128xi32, #tpu.memory_space<vmem>>, vector<16xi32>,
    %add3A_692 = arith.constant 48 : i32
    %add3A_693 = arith.addi %add3A_667, %add3A_692 : i32
    %add3A_694 = vector.broadcast %add3A_693 : i32 to vector<16xi32>
    %add3A_695 = arith.addi %iota3A, %add3A_694 : vector<16xi32>
    %swap3A_696 = arith.constant 48 : index
    %swap3A_697 = tpu.vector_load %arg7[%swap3A_696] {strides = array<i32>} : memref<128xi32, #tpu.memory_space<vmem>>, vector<16xi32>,
    %swap3A_698 = vector.shape_cast %swap3A_697 : vector<16xi32> to vector<16xi32>
    %swap3A_699 = vector.shape_cast %add3A_695 : vector<16xi32> to vector<16xi32>
    tpu.vector_store %arg7[%swap3A_696], %swap3A_699 {strides = array<i32>} : memref<128xi32, #tpu.memory_space<vmem>>, vector<16xi32>,
    %add3A_700 = arith.constant 64 : i32
    %add3A_701 = arith.addi %add3A_667, %add3A_700 : i32
    %add3A_702 = vector.broadcast %add3A_701 : i32 to vector<16xi32>
    %add3A_703 = arith.addi %iota3A, %add3A_702 : vector<16xi32>
    %swap3A_704 = arith.constant 64 : index
    %swap3A_705 = tpu.vector_load %arg7[%swap3A_704] {strides = array<i32>} : memref<128xi32, #tpu.memory_space<vmem>>, vector<16xi32>,
    %swap3A_706 = vector.shape_cast %swap3A_705 : vector<16xi32> to vector<16xi32>
    %swap3A_707 = vector.shape_cast %add3A_703 : vector<16xi32> to vector<16xi32>
    tpu.vector_store %arg7[%swap3A_704], %swap3A_707 {strides = array<i32>} : memref<128xi32, #tpu.memory_space<vmem>>, vector<16xi32>,
    %add3A_708 = arith.constant 80 : i32
    %add3A_709 = arith.addi %add3A_667, %add3A_708 : i32
    %add3A_710 = vector.broadcast %add3A_709 : i32 to vector<16xi32>
    %add3A_711 = arith.addi %iota3A, %add3A_710 : vector<16xi32>
    %swap3A_712 = arith.constant 80 : index
    %swap3A_713 = tpu.vector_load %arg7[%swap3A_712] {strides = array<i32>} : memref<128xi32, #tpu.memory_space<vmem>>, vector<16xi32>,
    %swap3A_714 = vector.shape_cast %swap3A_713 : vector<16xi32> to vector<16xi32>
    %swap3A_715 = vector.shape_cast %add3A_711 : vector<16xi32> to vector<16xi32>
    tpu.vector_store %arg7[%swap3A_712], %swap3A_715 {strides = array<i32>} : memref<128xi32, #tpu.memory_space<vmem>>, vector<16xi32>,
    %add3A_716 = arith.constant 96 : i32
    %add3A_717 = arith.addi %add3A_667, %add3A_716 : i32
    %add3A_718 = vector.broadcast %add3A_717 : i32 to vector<16xi32>
    %add3A_719 = arith.addi %iota3A, %add3A_718 : vector<16xi32>
    %swap3A_720 = arith.constant 96 : index
    %swap3A_721 = tpu.vector_load %arg7[%swap3A_720] {strides = array<i32>} : memref<128xi32, #tpu.memory_space<vmem>>, vector<16xi32>,
    %swap3A_722 = vector.shape_cast %swap3A_721 : vector<16xi32> to vector<16xi32>
    %swap3A_723 = vector.shape_cast %add3A_719 : vector<16xi32> to vector<16xi32>
    tpu.vector_store %arg7[%swap3A_720], %swap3A_723 {strides = array<i32>} : memref<128xi32, #tpu.memory_space<vmem>>, vector<16xi32>,
    %add3A_724 = arith.constant 112 : i32
    %add3A_725 = arith.addi %add3A_667, %add3A_724 : i32
    %add3A_726 = vector.broadcast %add3A_725 : i32 to vector<16xi32>
    %add3A_727 = arith.addi %iota3A, %add3A_726 : vector<16xi32>
    %swap3A_728 = arith.constant 112 : index
    %swap3A_729 = tpu.vector_load %arg7[%swap3A_728] {strides = array<i32>} : memref<128xi32, #tpu.memory_space<vmem>>, vector<16xi32>,
    %swap3A_730 = vector.shape_cast %swap3A_729 : vector<16xi32> to vector<16xi32>
    %swap3A_731 = vector.shape_cast %add3A_727 : vector<16xi32> to vector<16xi32>
    tpu.vector_store %arg7[%swap3A_728], %swap3A_731 {strides = array<i32>} : memref<128xi32, #tpu.memory_space<vmem>>, vector<16xi32>,
    "tpu.region"() ({
      %run_scoped3A = tpu.sem_alloc : memref<!tpu.dma_semaphore, #tpu.memory_space<semaphore_mem>>
      %dma_start3A = arith.constant 0 : i32
      %dma_start3A_734 = arith.constant 0 : i32
      %dma_start3A_735 = tpu.memref_slice %arg8[%dma_start3A, %dma_start3A_734] : memref<256x128xf32, #tpu.memory_space<vmem>> -> memref<128x128xf32, #tpu.memory_space<vmem>>
      %dma_start3A_736 = arith.constant 0 : i32
      %dma_start3A_737 = arith.constant 0 : i32
      %dma_start3A_738 = tpu.memref_slice %arg9[%dma_start3A_736, %dma_start3A_737] : memref<10240x128xf32, #tpu.memory_space<vmem_shared>> -> memref<10240x128xf32, #tpu.memory_space<vmem_shared>>
      tpu.enqueue_indirect_dma source(%dma_start3A_738 : memref<10240x128xf32, #tpu.memory_space<vmem_shared>>) target(%dma_start3A_735 : memref<128x128xf32, #tpu.memory_space<vmem>>) offsets(%arg7 : memref<128xi32, #tpu.memory_space<vmem>>) semaphore(%run_scoped3A : memref<!tpu.dma_semaphore, #tpu.memory_space<semaphore_mem>>)
      %dma_wait3A = arith.constant 0 : i32
      %dma_wait3A_739 = arith.constant 0 : i32
      %dma_wait3A_740 = tpu.memref_slice %arg8[%dma_wait3A, %dma_wait3A_739] : memref<256x128xf32, #tpu.memory_space<vmem>> -> memref<128x128xf32, #tpu.memory_space<vmem>>
      %dma_wait3A_741 = arith.constant 0 : i32
      %dma_wait3A_742 = arith.constant 0 : i32
      %dma_wait3A_743 = tpu.memref_slice %arg9[%dma_wait3A_741, %dma_wait3A_742] : memref<10240x128xf32, #tpu.memory_space<vmem_shared>> -> memref<10240x128xf32, #tpu.memory_space<vmem_shared>>
      tpu.wait_indirect_dma semaphore(%run_scoped3A : memref<!tpu.dma_semaphore, #tpu.memory_space<semaphore_mem>>) src(%dma_wait3A_743 : memref<10240x128xf32, #tpu.memory_space<vmem_shared>>) dst(%dma_wait3A_740 : memref<128x128xf32, #tpu.memory_space<vmem>>)
      tpu.yield
    }) : () -> ()
    %add3A_732 = arith.constant 512 : i32
    %add3A_733 = arith.addi %add3A_393, %add3A_732 : i32
    "tpu.region"() ({
      %run_scoped3A = tpu.sem_alloc : memref<!tpu.dma_semaphore, #tpu.memory_space<semaphore_mem>>
      %dma_start3A = arith.constant 0 : i32
      %dma_start3A_734 = arith.constant 0 : i32
      %dma_start3A_735 = tpu.memref_slice %arg8[%dma_start3A, %dma_start3A_734] : memref<256x128xf32, #tpu.memory_space<vmem>> -> memref<128x128xf32, #tpu.memory_space<vmem>>
      %dma_start3A_736 = arith.constant 0 : i32
      %dma_start3A_737 = tpu.memref_slice %arg5[%add3A_733, %dma_start3A_736] : memref<20480x128xf32, #tpu.memory_space<hbm>> -> memref<128x128xf32, #tpu.memory_space<hbm>>
      %dma_start3A_738 = arith.constant 0 : i32
      %dma_start3A_739 = tpu.memref_slice %arg5[%add3A_733, %dma_start3A_738] : memref<20480x128xf32, #tpu.memory_space<hbm>> -> memref<128x128xf32, #tpu.memory_space<hbm>>
      %dma_start3A_740 = arith.constant 0 : i32
      %dma_start3A_741 = arith.constant 0 : i32
      %dma_start3A_742 = tpu.memref_slice %arg8[%dma_start3A_740, %dma_start3A_741] : memref<256x128xf32, #tpu.memory_space<vmem>> -> memref<128x128xf32, #tpu.memory_space<vmem>>
      tpu.enqueue_dma source(%dma_start3A_742 : memref<128x128xf32, #tpu.memory_space<vmem>>) target(%dma_start3A_739 : memref<128x128xf32, #tpu.memory_space<hbm>>) target_semaphore(%run_scoped3A : memref<!tpu.dma_semaphore, #tpu.memory_space<semaphore_mem>>)
      %dma_wait3A = arith.constant 0 : i32
      %dma_wait3A_743 = arith.constant 0 : i32
      %dma_wait3A_744 = tpu.memref_slice %arg8[%dma_wait3A, %dma_wait3A_743] : memref<256x128xf32, #tpu.memory_space<vmem>> -> memref<128x128xf32, #tpu.memory_space<vmem>>
      %dma_wait3A_745 = arith.constant 0 : i32
      %dma_wait3A_746 = tpu.memref_slice %arg5[%add3A_733, %dma_wait3A_745] : memref<20480x128xf32, #tpu.memory_space<hbm>> -> memref<128x128xf32, #tpu.memory_space<hbm>>
      %dma_wait3A_747 = arith.constant 0 : i32
      %dma_wait3A_748 = tpu.memref_slice %arg5[%add3A_733, %dma_wait3A_747] : memref<20480x128xf32, #tpu.memory_space<hbm>> -> memref<128x128xf32, #tpu.memory_space<hbm>>
      %dma_wait3A_749 = arith.constant 0 : i32
      %dma_wait3A_750 = arith.constant 0 : i32
      %dma_wait3A_751 = tpu.memref_slice %arg8[%dma_wait3A_749, %dma_wait3A_750] : memref<256x128xf32, #tpu.memory_space<vmem>> -> memref<128x128xf32, #tpu.memory_space<vmem>>
      tpu.wait_dma2 semaphore(%run_scoped3A : memref<!tpu.dma_semaphore, #tpu.memory_space<semaphore_mem>>) src(%dma_wait3A_751 : memref<128x128xf32, #tpu.memory_space<vmem>>) dst(%dma_wait3A_748 : memref<128x128xf32, #tpu.memory_space<hbm>>)
      tpu.yield
    }) : () -> ()
    return
  }
}

module attributes {stable_mosaic.version = 14 : i64} {
  func.func @_eproj_body(%arg0: i32, %arg1: memref<4000x16xf32, #tpu.memory_space<vmem>>, %arg2: memref<16x128xf32, #tpu.memory_space<vmem>>, %arg3: memref<4000x128xf32, #tpu.memory_space<vmem>>) attributes {dimension_semantics = [#tpu.dimension_semantics<arbitrary>], iteration_bounds = array<i64: 80>, scalar_prefetch = 0 : i64, scratch_operands = 0 : i64, tpu.core_type = #tpu.core_type<tc>, window_params = [{transform_indices = @transform_0, window_bounds = array<i64: 4000, 16>}, {pipeline_mode = #tpu.pipeline_mode<synchronous>, transform_indices = @transform_1, window_bounds = array<i64: 16, 128>}, {transform_indices = @transform_2, window_bounds = array<i64: 4000, 128>}]} {
    %get3A = arith.constant 0 : index
    %get3A_0 = arith.constant 0 : index
    %get3A_1 = vector.load %arg1[%get3A, %get3A_0] : memref<4000x16xf32, #tpu.memory_space<vmem>>, vector<4000x16xf32>
    %get3A_2 = arith.constant 0 : index
    %get3A_3 = arith.constant 0 : index
    %get3A_4 = vector.load %arg2[%get3A_2, %get3A_3] : memref<16x128xf32, #tpu.memory_space<vmem>>, vector<16x128xf32>
    %dot_general3A = arith.constant dense<0.000000e+00> : vector<4000x128xf32>
    %dot_general3A_5 = tpu.matmul %get3A_1, %get3A_4, %dot_general3A {dimension_numbers = #tpu.dot_dimension_numbers<[1], [0], [0], [1], [0, 0, 1, 1], [], []>, transpose_lhs_hint = false} : vector<4000x16xf32>, vector<16x128xf32>, vector<4000x128xf32> -> vector<4000x128xf32>
    %swap3A = arith.constant 0 : index
    %swap3A_6 = arith.constant 0 : index
    %swap3A_7 = vector.load %arg3[%swap3A, %swap3A_6] : memref<4000x128xf32, #tpu.memory_space<vmem>>, vector<4000x128xf32>
    tpu.vector_store %arg3[%swap3A, %swap3A_6], %dot_general3A_5 {strides = array<i32>} : memref<4000x128xf32, #tpu.memory_space<vmem>>, vector<4000x128xf32>,
    return
  }
  func.func @transform_0(%arg0: i32) -> (i32, i32) {
    %c0_i32 = arith.constant 0 : i32
    %c0_i32_0 = arith.constant 0 : i32
    return %arg0, %c0_i32 : i32, i32
  }
  func.func @transform_1(%arg0: i32) -> (i32, i32) {
    %c0_i32 = arith.constant 0 : i32
    %c0_i32_0 = arith.constant 0 : i32
    %c0_i32_1 = arith.constant 0 : i32
    return %c0_i32, %c0_i32_0 : i32, i32
  }
  func.func @transform_2(%arg0: i32) -> (i32, i32) {
    %c0_i32 = arith.constant 0 : i32
    %c0_i32_0 = arith.constant 0 : i32
    return %arg0, %c0_i32 : i32, i32
  }
}

module attributes {stable_mosaic.version = 14 : i64} {
  func.func @_mlp_body(%arg0: i32, %arg1: memref<2x1000x128xf32, #tpu.memory_space<vmem>>, %arg2: memref<1000x128xf32, #tpu.memory_space<vmem>>, %arg3: memref<128x128xf32, #tpu.memory_space<vmem>>, %arg4: memref<1x128xf32, #tpu.memory_space<vmem>>, %arg5: memref<128x128xf32, #tpu.memory_space<vmem>>, %arg6: memref<1x128xf32, #tpu.memory_space<vmem>>, %arg7: memref<1000x128xf32, #tpu.memory_space<vmem>>) attributes {dimension_semantics = [#tpu.dimension_semantics<arbitrary>], iteration_bounds = array<i64: 10>, scalar_prefetch = 0 : i64, scratch_operands = 0 : i64, tpu.core_type = #tpu.core_type<tc>, window_params = [{transform_indices = @transform_0, window_bounds = array<i64: 2, 1000, 128>}, {transform_indices = @transform_1, window_bounds = array<i64: 1000, 128>}, {pipeline_mode = #tpu.pipeline_mode<synchronous>, transform_indices = @transform_2, window_bounds = array<i64: 128, 128>}, {pipeline_mode = #tpu.pipeline_mode<synchronous>, transform_indices = @transform_3, window_bounds = array<i64: 1, 128>}, {pipeline_mode = #tpu.pipeline_mode<synchronous>, transform_indices = @transform_4, window_bounds = array<i64: 128, 128>}, {pipeline_mode = #tpu.pipeline_mode<synchronous>, transform_indices = @transform_5, window_bounds = array<i64: 1, 128>}, {transform_indices = @transform_6, window_bounds = array<i64: 1000, 128>}]} {
    %get3A = arith.constant 0 : index
    %get3A_0 = arith.constant 0 : index
    %get3A_1 = arith.constant 0 : index
    %get3A_2 = vector.load %arg1[%get3A, %get3A_0, %get3A_1] : memref<2x1000x128xf32, #tpu.memory_space<vmem>>, vector<1x1000x128xf32>
    %get3A_3 = vector.shape_cast %get3A_2 : vector<1x1000x128xf32> to vector<1000x128xf32>
    %get3A_4 = arith.constant 1 : index
    %get3A_5 = arith.constant 0 : index
    %get3A_6 = arith.constant 0 : index
    %get3A_7 = vector.load %arg1[%get3A_4, %get3A_5, %get3A_6] : memref<2x1000x128xf32, #tpu.memory_space<vmem>>, vector<1x1000x128xf32>
    %get3A_8 = vector.shape_cast %get3A_7 : vector<1x1000x128xf32> to vector<1000x128xf32>
    %add3A = arith.addf %get3A_3, %get3A_8 : vector<1000x128xf32>
    %get3A_9 = arith.constant 0 : index
    %get3A_10 = arith.constant 0 : index
    %get3A_11 = vector.load %arg2[%get3A_9, %get3A_10] : memref<1000x128xf32, #tpu.memory_space<vmem>>, vector<1000x128xf32>
    %add3A_12 = arith.addf %add3A, %get3A_11 : vector<1000x128xf32>
    %get3A_13 = arith.constant 0 : index
    %get3A_14 = arith.constant 0 : index
    %get3A_15 = vector.load %arg3[%get3A_13, %get3A_14] : memref<128x128xf32, #tpu.memory_space<vmem>>, vector<128x128xf32>
    %dot_general3A = arith.constant dense<0.000000e+00> : vector<1000x128xf32>
    %dot_general3A_16 = tpu.matmul %add3A_12, %get3A_15, %dot_general3A {dimension_numbers = #tpu.dot_dimension_numbers<[1], [0], [0], [1], [0, 0, 1, 1], [], []>, transpose_lhs_hint = false} : vector<1000x128xf32>, vector<128x128xf32>, vector<1000x128xf32> -> vector<1000x128xf32>
    %get3A_17 = arith.constant 0 : index
    %get3A_18 = arith.constant 0 : index
    %get3A_19 = vector.load %arg4[%get3A_17, %get3A_18] : memref<1x128xf32, #tpu.memory_space<vmem>>, vector<1x128xf32>
    %add3A_20 = vector.broadcast %get3A_19 : vector<1x128xf32> to vector<1000x128xf32>
    %add3A_21 = arith.addf %dot_general3A_16, %add3A_20 : vector<1000x128xf32>
    %max3A = arith.constant 0.000000e+00 : f32
    %max3A_22 = vector.broadcast %max3A : f32 to vector<1000x128xf32>
    %max3A_23 = arith.maximumf %add3A_21, %max3A_22 : vector<1000x128xf32>
    %get3A_24 = arith.constant 0 : index
    %get3A_25 = arith.constant 0 : index
    %get3A_26 = vector.load %arg5[%get3A_24, %get3A_25] : memref<128x128xf32, #tpu.memory_space<vmem>>, vector<128x128xf32>
    %dot_general3A_27 = arith.constant dense<0.000000e+00> : vector<1000x128xf32>
    %dot_general3A_28 = tpu.matmul %max3A_23, %get3A_26, %dot_general3A_27 {dimension_numbers = #tpu.dot_dimension_numbers<[1], [0], [0], [1], [0, 0, 1, 1], [], []>, transpose_lhs_hint = false} : vector<1000x128xf32>, vector<128x128xf32>, vector<1000x128xf32> -> vector<1000x128xf32>
    %get3A_29 = arith.constant 0 : index
    %get3A_30 = arith.constant 0 : index
    %get3A_31 = vector.load %arg6[%get3A_29, %get3A_30] : memref<1x128xf32, #tpu.memory_space<vmem>>, vector<1x128xf32>
    %add3A_32 = vector.broadcast %get3A_31 : vector<1x128xf32> to vector<1000x128xf32>
    %add3A_33 = arith.addf %dot_general3A_28, %add3A_32 : vector<1000x128xf32>
    %swap3A = arith.constant 0 : index
    %swap3A_34 = arith.constant 0 : index
    %swap3A_35 = vector.load %arg7[%swap3A, %swap3A_34] : memref<1000x128xf32, #tpu.memory_space<vmem>>, vector<1000x128xf32>
    tpu.vector_store %arg7[%swap3A, %swap3A_34], %add3A_33 {strides = array<i32>} : memref<1000x128xf32, #tpu.memory_space<vmem>>, vector<1000x128xf32>,
    return
  }
  func.func @transform_0(%arg0: i32) -> (i32, i32, i32) {
    %c0_i32 = arith.constant 0 : i32
    %c0_i32_0 = arith.constant 0 : i32
    %c0_i32_1 = arith.constant 0 : i32
    return %c0_i32, %arg0, %c0_i32_0 : i32, i32, i32
  }
  func.func @transform_1(%arg0: i32) -> (i32, i32) {
    %c0_i32 = arith.constant 0 : i32
    %c0_i32_0 = arith.constant 0 : i32
    return %arg0, %c0_i32 : i32, i32
  }
  func.func @transform_2(%arg0: i32) -> (i32, i32) {
    %c0_i32 = arith.constant 0 : i32
    %c0_i32_0 = arith.constant 0 : i32
    %c0_i32_1 = arith.constant 0 : i32
    return %c0_i32, %c0_i32_0 : i32, i32
  }
  func.func @transform_3(%arg0: i32) -> (i32, i32) {
    %c0_i32 = arith.constant 0 : i32
    %c0_i32_0 = arith.constant 0 : i32
    %c0_i32_1 = arith.constant 0 : i32
    return %c0_i32, %c0_i32_0 : i32, i32
  }
  func.func @transform_4(%arg0: i32) -> (i32, i32) {
    %c0_i32 = arith.constant 0 : i32
    %c0_i32_0 = arith.constant 0 : i32
    %c0_i32_1 = arith.constant 0 : i32
    return %c0_i32, %c0_i32_0 : i32, i32
  }
  func.func @transform_5(%arg0: i32) -> (i32, i32) {
    %c0_i32 = arith.constant 0 : i32
    %c0_i32_0 = arith.constant 0 : i32
    %c0_i32_1 = arith.constant 0 : i32
    return %c0_i32, %c0_i32_0 : i32, i32
  }
  func.func @transform_6(%arg0: i32) -> (i32, i32) {
    %c0_i32 = arith.constant 0 : i32
    %c0_i32_0 = arith.constant 0 : i32
    return %arg0, %c0_i32 : i32, i32
  }
}

</mosaic_0001>

<sc_bundles>
// kernel: kernel.5.cloned.1.call-start
scs
__scs_entry_jumppad:
0x0: {  	(pc) =	sbr.rel $0x88, $3  }
0x1: {  	(tag) =	ssettag $0x0;
	lr =	simm.s32 $0x1  }
0x2: {  	[smem:$0x3F98] =	sst lr;
	_ =	strace $0xD0000000  }
0x3: {  	_ = 	snop  }
0x4: {  	_ = 	snop  }
0x5: {  	_ = 	snop  }
0x6: {  	_ = 	snop  }
0x7: {  	_ = 	snop  }
__scs_overlays_trampoline_lowered:
0x8: {  	[smem:$0x3FA7] =	sst s0  }
0x9: {  	[smem:$0x3FA8] =	sst s1  }
0xa: {  	[smem:$0x3FA9] =	sst s2  }
0xb: {  	[smem:$0x3FAA] =	sst s3  }
0xc: {  	[smem:$0x3FAB] =	sst s4  }
0xd: {  	[smem:$0x3FAC] =	sst s5  }
0xe: {  	[smem:$0x3FAD] =	sst s6  }
0xf: {  	[smem:$0x3FAE] =	sst s7  }
0x10: {  	[smem:$0x3FAF] =	sst s8  }
0x11: {  	[smem:$0x3FB0] =	sst s9;
	s0 =	simm.s32 @!p0 $0x0  }
0x12: {  	s1 =	sld [smem:$0x3F96];
	s0 =	simm.s32 @p0 $0x1  }
0x13: {  	[smem:$0x3FB1] =	sst s0;
	s0 =	simm.s32 @!p1 $0x0  }
0x14: {  	s2 =	sld [smem:$0x3F95];
	s0 =	simm.s32 @p1 $0x1  }
0x15: {  	[smem:$0x3FB2] =	sst s0;
	s0 =	simm.s32 @!p2 $0x0  }
0x16: {  	s3 =	sld [smem:$0x3FDB];
	s0 =	simm.s32 @p2 $0x1  }
0x17: {  	s4 =	simm.s32 $0x1BF5;
	[smem:$0x3FB4] =	sst s0  }
0x18: {  	s0 =	sld [smem:$0x3F97];
	_ =	swait.ge [sflag:s4], $0x0  }
0x19: {  	s7 =	sld [smem:$0x3F98]  }
0x1a: {  	s8 =	sadd.s32 $0xFFFFE003, lr  }
0x1b: {  	s9 =	sadd.s32 $0xFFFFFEF7, lr;
	s5 =	simm.s32 $0xFFFFFFFF;
	p2 =	slt.u32 s8, $0xFFFFF086  }
0x1c: {  	p1 =	slt.u32 s9, $0xF7A;
	s5 =	simm.s32 @!p2 $0x0  }
0x1d: {  	s5 =	simm.s32 @p1 $0x1;
	p0 =	seq.s32 s7, s2  }
0x1e: {  	s7 =	smul.u32 @!p0 $0xF7A, s2;
	p2 =	seq.s32 @!p0 s5, $0x0  }
0x1f: {  	s9 =	smul.u32 $0xF7A, s1;
	s8 =	simm.s32 @!p0 $0x1BF5;
	p2 =	por !p2, p0  }
0x20: {  	[sflag:s8] =	ssyncset.s32 @!p0 $0xFFFFF086;
	s6 =	sadd.s32 @!p0 s3, s7;
	s7 =	simm.s32 @!p0 $0x108  }
0x21: {  	s3 =	sadd.s32 s3, s9;
	s6 =	sadd.s32 @!p0 $0x88, s6;
	s7 =	simm.s32 @p2 $0x1082  }
0x22: {  	[simem:s7], [sflag:s8] =	dma.local @!p0 [hbm:s6], $0xF7A  }
0x23: {  	s9 =	sor.u32 $0xD0000000, s2;
	s6 =	simm.s32 $0x108;
	_ =	swait.ge @!p0 [sflag:s8], $0x0  }
0x24: {  	s3 =	sadd.s32 $0x88, s3;
	s6 =	simm.s32 @!p1 $0x1082;
	[sflag:s4] =	ssyncset.s32 $0xFFFFF086  }
0x25: {  	[simem:s6], [sflag:s4] =	dma.local [hbm:s3], $0xF7A  }
0x26: {  	[smem:$0x3F98] =	sst s1;
	(tag) =	ssettag s2;
	_ =	strace s9  }
0x27: {  	s1 =	sld [smem:$0x3FA8]  }
0x28: {  	s2 =	sld [smem:$0x3FA9]  }
0x29: {  	s4 =	sld [smem:$0x3FAB]  }
0x2a: {  	p0 =	seq.s32 s5, $0x0;
	s5 =	sld [smem:$0x3FAC]  }
0x2b: {  	s6 =	sld [smem:$0x3FAD]  }
0x2c: {  	s7 =	sld [smem:$0x3FAE]  }
0x2d: {  	s3 =	simm.s32 $0x108;
	s8 =	sld [smem:$0x3FAF]  }
0x2e: {  	s3 =	simm.s32 @!p0 $0x1082;
	s9 =	sld [smem:$0x3FB0]  }
0x2f: {  	lr =	sadd.s32 s0, s3;
	s0 =	sld [smem:$0x3FA7]  }
0x30: {  	s3 =	sld [smem:$0x3FAA]  }
0x31: {  	[smem:$0x3FB3] =	sst s10  }
0x32: {  	s10 =	sld [smem:$0x3FB1];
	_ =	sdelay $0x3  }
0x33: {  	p0 =	seq.s32 s10, $0x1;
	s10 =	sld [smem:$0x3FB3];
	_ =	sdelay $0x3  }
0x34: {  	[smem:$0x3FB3] =	sst s10  }
0x35: {  	s10 =	sld [smem:$0x3FB2];
	_ =	sdelay $0x3  }
0x36: {  	p1 =	seq.s32 s10, $0x1;
	s10 =	sld [smem:$0x3FB3];
	_ =	sdelay $0x3  }
0x37: {  	[smem:$0x3FB3] =	sst s10  }
0x38: {  	s10 =	sld [smem:$0x3FB4]  }
0x39: {  	_ = 	snop;
	(pc) =	sbr.ind lr, $3  }
0x3a: {  	_ = 	snop  }
0x3b: {  	_ = 	snop  }
0x3c: {  	p2 =	seq.s32 s10, $0x1;
	s10 =	sld [smem:$0x3FB3]  }
0x3d: {  	_ =	shalt  }
0x3e: {  	_ =	shalt  }
0x3f: {  	_ =	shalt  }
0x40: {  	_ =	shalt  }
0x41: {  	_ =	shalt  }
0x42: {  	_ =	shalt  }
0x43: {  	_ =	shalt  }
0x44: {  	_ =	shalt  }
0x45: {  	_ =	shalt  }
0x46: {  	_ =	shalt  }
0x47: {  	_ =	shalt  }
0x48: {  	_ =	shalt  }
0x49: {  	_ =	shalt  }
0x4a: {  	_ =	shalt  }
0x4b: {  	_ =	shalt  }
0x4c: {  	_ =	shalt  }
0x4d: {  	_ =	shalt  }
0x4e: {  	_ =	shalt  }
0x4f: {  	_ =	shalt  }
0x50: {  	_ =	shalt  }
0x51: {  	_ =	shalt  }
0x52: {  	_ =	shalt  }
0x53: {  	_ =	shalt  }
0x54: {  	_ =	shalt  }
0x55: {  	_ =	shalt  }
0x56: {  	_ =	shalt  }
0x57: {  	_ =	shalt  }
0x58: {  	_ =	shalt  }
0x59: {  	_ =	shalt  }
0x5a: {  	_ =	shalt  }
0x5b: {  	_ =	shalt  }
0x5c: {  	_ =	shalt  }
0x5d: {  	_ =	shalt  }
0x5e: {  	_ =	shalt  }
0x5f: {  	_ =	shalt  }
0x60: {  	_ =	shalt  }
0x61: {  	_ =	shalt  }
0x62: {  	_ =	shalt  }
0x63: {  	_ =	shalt  }
0x64: {  	_ =	shalt  }
0x65: {  	_ =	shalt  }
0x66: {  	_ =	shalt  }
0x67: {  	_ =	shalt  }
0x68: {  	_ =	shalt  }
0x69: {  	_ =	shalt  }
0x6a: {  	_ =	shalt  }
0x6b: {  	_ =	shalt  }
0x6c: {  	_ =	shalt  }
0x6d: {  	_ =	shalt  }
0x6e: {  	_ =	shalt  }
0x6f: {  	_ =	shalt  }
0x70: {  	_ =	shalt  }
0x71: {  	_ =	shalt  }
0x72: {  	_ =	shalt  }
0x73: {  	_ =	shalt  }
0x74: {  	_ =	shalt  }
0x75: {  	_ =	shalt  }
0x76: {  	_ =	shalt  }
0x77: {  	_ =	shalt  }
0x78: {  	_ =	shalt  }
0x79: {  	_ =	shalt  }
0x7a: {  	_ =	shalt  }
0x7b: {  	_ =	shalt  }
0x7c: {  	_ =	shalt  }
0x7d: {  	_ =	shalt  }
0x7e: {  	_ =	shalt  }
0x7f: {  	_ =	shalt  }
0x80: {  	_ =	shalt  }
0x81: {  	_ =	shalt  }
0x82: {  	_ =	shalt  }
0x83: {  	_ =	shalt  }
0x84: {  	_ =	shalt  }
0x85: {  	_ =	shalt  }
0x86: {  	_ =	shalt  }
0x87: {  	_ =	shalt  }
.Lfunc_end0:
.L_simem_size_0:
called_computation_lowered:
.L_overlay_start_0:
0x88: {  	s2 =	sld [smem:$0x3FD9]  }
0x89: {  	s3 =	sld [smem:$0x3FFE];
	_ =	sdelay $0x1  }
0x8a: {  	s1 =	srdreg.scid  }
0x8b: {  	s0 =	sand.u32 $0x1, s1  }
0x8c: {  	s17 =	sshll.u32 s0, $0xA;
	s2 =	sadd.s32 s3, s2  }
0x8d: {  	s2 =	sadd.s32 s2, s17  }
0x8e: {  	[smem:$0x3FBF] =	sst s2  }
0x8f: {  	_ = 	snop  }
0x90: {  	s2 =	sld [smem:$0x3FC9]  }
0x91: {  	s18 =	sld [smem:$0x3FD0];
	(tm) =	ssettm $0x1  }
0x92: {  	s4 =	sld [smem:$0x3FFB];
	_ =	sdelay $0x3  }
0x93: {  	_ =	strace s4  }
0x94: {  	s4 =	sld [smem:$0x3FFC];
	_ =	sdelay $0x3  }
0x95: {  	_ =	strace s4  }
0x96: {  	s4 =	sld [smem:$0x3FFD];
	_ =	sdelay $0x3  }
0x97: {  	_ =	strace s4  }
0x98: {  	_ =	strace $0x8FFFFFFF  }
0x99: {  	s19 =	sld [smem:$0x3FDB];
	_ =	sdelay $0x1  }
0x9a: {  	s5 =	simm.s32 $_scs_section_size  }
0x9b: {  	s6 =	simm.s32 $_size__tile_overlayer_lowered;
	s7 =	simm.s32 $_tile_overlayer_lowered  }
0x9c: {  	s22 =	simm.s32 $0x1BFF;
	s21 =	sshll.u32 s7, $0x1;
	s4 =	sadd.s32 s5, s19  }
0x9d: {  	s8 =	simm.s32 $0x0;
	s20 =	sshll.u32 s6, $0x1;
	s6 =	sadd.s32 s21, s4  }
0x9e: {  	[timem:s8], [sflag:s22] =	dma.local [hbm:s6], s20  }
0x9f: {  	_ =	swait.ge [sflag:s22], s20  }
0xa0: {  	s5 =	ssub.s32 $0x0, s20;
	[sflag:s22] =	ssyncset.done $0x0  }
0xa1: {  	[sflag:s22] =	ssyncadd.s32 s5;
	_ =	sdelay $0x1  }
0xa2: {  	s23 =	simm.s32 $0x1B8B  }
0xa3: {  	_ =	swait.ge [sflag:s23], $0x1  }
0xa4: {  	[sflag:s23] =	ssyncset.done $0x0  }
0xa5: {  	s25 =	simm.s32 $0x1B8E;
	s24 =	sld [smem:$0x3FFE];
	[sflag:s23] =	ssyncadd.s32 $0xFFFFFFFF  }
0xa6: {  	s26 =	simm.s32 $execute0_lowered;
	[smem:$0x3FD2] =	sst s25  }
0xa7: {  	s6 =	sshll.u32 s26, $0x1;
	_ =	strace $0x80000046;
	[dreg:$0x1] =	wrdreg $0xFFFFFFFF  }
0xa8: {  	s28 =	simm.s32 $_size_execute0_lowered;
	s4 =	sadd.s32 s4, s6;
	[dreg:$0x0] =	wrdreg $0x0  }
0xa9: {  	s6 =	sshll.u32 s28, $0x1;
	[dreg:$0x2] =	wrdreg s4  }
0xaa: {  	[dreg:$0x3] =	wrdreg s6  }
0xab: {  	[dreg:$0x4] =	wrdreg $0xC0  }
0xac: {  	_ =	task [dreg:s8], $0x5FFFF  }
0xad: {  	[dreg:$0x1] =	wrdreg $0xFFFFFFFF  }
0xae: {  	[dreg:$0x0] =	wrdreg $0x60  }
0xaf: {  	[dreg:$0x2] =	wrdreg s2  }
0xb0: {  	[dreg:$0x3] =	wrdreg s18  }
0xb1: {  	[dreg:$0x4] =	wrdreg s24  }
0xb2: {  	[dreg:$0x5] =	wrdreg $0x81800  }
0xb3: {  	[dreg:$0x6] =	wrdreg $0x9  }
0xb4: {  	_ =	task.clear_ibuf [dreg:s8], $0x7FFFF;
	_ =	strace $0x90000046  }
0xb5: {  	s29 =	simm.s32 $0x9;
	_ =	strace $0x80000048  }
0xb6: {  	_ =	swait.ge [sflag:s29], $0x1  }
0xb7: {  	[sflag:s29] =	ssyncadd.s32 $0xFFFFFFFF  }
0xb8: {  	_ =	strace $0x90000048  }
0xb9: {  	_ =	sfence  }
0xba: {  	s30 =	sld [smem:$0x0];
	_ =	sdelay $0x2  }
0xbb: {  	s31 =	sshll.u32 s1, $0xD;
	s1 =	sshrl.u32 s1, $0x2  }
0xbc: {  	s3 =	sand.u32 $0x4000, s31;
	s1 =	sadd.s32 s1, s30  }
0xbd: {  	s0 =	sor.u32 s3, s0;
	s1 =	sshll.u32 s1, $0x11  }
0xbe: {  	s0 =	sor.u32 s1, s0  }
0xbf: {  	s0 =	sadd.s32 $0x8F2B, s0  }
0xc0: {  	[sflag:s0] =	ssyncadd.remote.s32 $0x1  }
0xc1: {  	_ =	sfence.sel $0xFFFF  }
0xc2: {  	[dreg:$0x0] =	wrdreg $0xFFFFFFFF;
	(pc) =	sbr.abs _section_cstart, $3  }
0xc3: {  	[dreg:$0x1] =	wrdreg $0xFFFFFFFF  }
0xc4: {  	_ =	task.clear_ibuf [dreg:s8], $0x2FFFF;
	_ =	strace $0x9FFFFFFF  }
0xc5: {  	(tm) =	ssettm $0x7FFFFFFF  }
tec
execute0_lowered:
.L_overlay_start_1:
0x0: {  	(tag) =	ssettag $0x1  }
0x1: {  	s1 =	rddreg [dreg:$0x0]  }
0x2: {  	s14 =	rddreg [dreg:$0x1]  }
0x3: {  	s2 =	srdreg.scid;
	s6 =	rddreg [dreg:$0x2]  }
0x4: {  	s0 =	stileid.u32;
	s3 =	rddreg [dreg:$0x3]  }
0x5: {  	s4 =	simm.s32 $0x0;
	s7 =	sand.u32 $0x1, s2;
	s5 =	smul.u32 $0x1388, s0  }
0x6: {  	[smem:$0x7FF] =	sst s4;
	s16 =	sshll.u32 s0, $0x1;
	s8 =	smul.u32 $0x9C4, s7  }
0x7: {  	s9 =	smul.u32 $0x2800, s7;
	_ =	strace $0x80000047;
	s2 =	ssub.s32 $0x2, s7  }
0x8: {  	s7 =	sor.u32 s7, s16;
	s10 =	sshrl.u32 s2, $0x1;
	s15 =	sadd.s32 s8, s5  }
0x9: {  	s5 =	smul.u32 $0x280, s0;
	s12 =	ssub.s32 s2, s10;
	s8 =	sshll.u32 s15, $0x6  }
0xa: {  	s12 =	smax.u32 s12, $0x1;
	s15 =	sand.u32 $0x3FFE0, s15;
	s8 =	sand.u32 $0xFFF800, s8  }
0xb: {  	s31 =	sadd.s32 s5, s9;
	s9 =	sor.u32 $0x20, s5;
	s10 =	sor.u32 $0x30, s5  }
0xc: {  	s16 =	sor.u32 $0x40, s5;
	s0 =	sor.u32 $0x50, s5;
	s17 =	sor.u32 $0x60, s5  }
0xd: {  	s18 =	sor.u32 $0x70, s5;
	s19 =	sadd.s32 $0x80, s5;
	s20 =	sadd.s32 $0x90, s5  }
0xe: {  	s21 =	sadd.s32 $0xA0, s5;
	s22 =	sadd.s32 $0xB0, s5;
	s23 =	sadd.s32 $0xC0, s5  }
0xf: {  	s24 =	sadd.s32 $0xD0, s5;
	s25 =	sadd.s32 $0xE0, s5;
	s26 =	sadd.s32 $0xF0, s5  }
0x10: {  	s28 =	sadd.s32 $0x100, s5;
	s29 =	sadd.s32 $0x110, s5;
	s2 =	sadd.s32 $0x130, s5  }
0x11: {  	v39 =	vlaneseq.u32;
	s30 =	sadd.s32 $0x140, s5;
	s14 =	sadd.s32 s15, s14;
	s15 =	simm.s32 $0x80  }
0x12: {  	v40 =	vimm.f32 $0.0e+00;
	v22 =	vor.u32 s5, v39;
	s13 =	sadd.s32 s8, s6;
	s8 =	sshll.u32 s31, $0x4;
	s31 =	sadd.s32 $0x120, s5  }
0x13: {  	v2 =	vor.u32 s10, v39;
	v3 =	vor.u32 s16, v39;
	v4 =	vor.u32 s0, v39;
	s10 =	sadd.s32 $0x150, s5;
	s0 =	sadd.s32 $0x160, s5;
	s16 =	sadd.s32 $0x170, s5  }
0x14: {  	v5 =	vor.u32 s17, v39;
	v6 =	vor.u32 s18, v39;
	v7 =	vor.u32 s19, v39;
	s17 =	sadd.s32 $0x180, s5;
	s18 =	sadd.s32 $0x190, s5;
	s19 =	sadd.s32 $0x1A0, s5  }
0x15: {  	v8 =	vor.u32 s20, v39;
	v9 =	vor.u32 s21, v39;
	v10 =	vor.u32 s22, v39;
	s20 =	sadd.s32 $0x1B0, s5;
	s21 =	sadd.s32 $0x1C0, s5;
	s22 =	sadd.s32 $0x1D0, s5  }
0x16: {  	v11 =	vor.u32 s23, v39;
	v12 =	vor.u32 s24, v39;
	v13 =	vor.u32 s25, v39;
	s23 =	sadd.s32 $0x1E0, s5;
	s24 =	sadd.s32 $0x1F0, s5;
	s25 =	sadd.s32 $0x200, s5  }
0x17: {  	v14 =	vor.u32 s26, v39;
	v15 =	vor.u32 s28, v39;
	v16 =	vor.u32 s29, v39;
	s26 =	sadd.s32 $0x210, s5;
	s28 =	sadd.s32 $0x220, s5;
	s29 =	sadd.s32 $0x230, s5  }
0x18: {  	v1 =	vor.u32 s9, v39;
	v18 =	vor.u32 s2, v39;
	v19 =	vor.u32 s30, v39;
	s30 =	sadd.s32 $0x240, s5;
	s2 =	sadd.s32 $0x260, s5;
	s11 =	sadd.s32 s8, s6  }
0x19: {  	s8 =	sor.u32 $0x10, s5;
	s6 =	smul.u32 $0x9C4, s7;
	v17 =	vor.u32 s31, v39;
	s31 =	sadd.s32 $0x250, s5;
	v20 =	vor.u32 s10, v39;
	v21 =	vor.u32 s0, v39  }
0x1a: {  	s0 =	sadd.s32 $0x270, s5;
	v23 =	vor.u32 s16, v39;
	v24 =	vor.u32 s17, v39;
	v25 =	vor.u32 s18, v39;
	s13 =	sadd.s32 $0x4E3600, s13;
	s16 =	simm.s32 $0x100  }
.Ltmp0:
0x1b: {  	v26 =	vor.u32 s19, v39;
	v27 =	vor.u32 s20, v39;
	v28 =	vor.u32 s21, v39;
	s17 =	simm.s32 $0x180;
	s18 =	simm.s32 $0x2;
	(pc) =	sbr.rel .LBB2_1-.Ltmp0, $4  }
0x1c: {  	v29 =	vor.u32 s22, v39;
	v30 =	vor.u32 s23, v39;
	v31 =	vor.u32 s24, v39;
	s19 =	simm.s32 $0x4180;
	s20 =	simm.s32 $0x1;
	s21 =	simm.s32 $0x0  }
0x1d: {  	v32 =	vor.u32 s25, v39;
	v33 =	vor.u32 s26, v39;
	v34 =	vor.u32 s28, v39;
	s7 =	sadd.s32 $0x1600, s11;
	s5 =	sshrl.u32 s6, $0x5;
	s6 =	sadd.s32 $0x9C4, s6  }
0x1e: {  	v35 =	vor.u32 s29, v39;
	v36 =	vor.u32 s30, v39;
	v0 =	vor.u32 s8, v39;
	s8 =	sadd.s32 $0x1E00, s11;
	s9 =	sadd.s32 $0x2600, s11;
	s6 =	sshrl.u32 s6, $0x5  }
0x1f: {  	v38 =	vor.u32 s2, v39;
	s10 =	sadd.s32 $0x2E00, s11;
	s11 =	sadd.s32 $0x3600, s11;
	v37 =	vor.u32 s31, v39;
	v39 =	vor.u32 s0, v39;
	p0 =	sge.u32 s5, s6  }
.LBB2_6:
0x20: {  	[sflag:s18] =	ssyncadd.s32 $0xFFFFC000  }
.LBB2_7:
0x21: {  	[bflag:$0x0] =	sbarrier.arrive $0xFFFF  }
0x22: {  	[tilespmem:$0x100] =	vst v22  }
0x23: {  	[tilespmem:$0x110] =	vst v0  }
0x24: {  	[tilespmem:$0x120] =	vst v1  }
0x25: {  	[tilespmem:$0x130] =	vst v2  }
0x26: {  	[tilespmem:$0x140] =	vst v3  }
0x27: {  	[tilespmem:$0x150] =	vst v4  }
0x28: {  	[tilespmem:$0x160] =	vst v5  }
0x29: {  	[tilespmem:$0x170] =	vst v6  }
0x2a: {  	[tilespmem:s17], [sflag:$0x2] =	stream.indirect.gather [spmem:s3], $0x80, s16, s15, $0xb8;
	[tilespmem:$0x1C180] =	vst v63  }
0x2b: {  	_ =	swait.ge [sflag:s18], $0x4000  }
0x2c: {  	[sflag:s18] =	ssyncset.done $0x0  }
0x2d: {  	[sflag:s18] =	ssyncadd.s32 $0xFFFFC000  }
0x2e: {  	[hbm4b:s7+s4] =	stream.linear.scatter [tilespmem:s17], [sflag:$0x2], $0x4000, $0x38;
	[tilespmem:$0x1C180] =	vst v63  }
0x2f: {  	_ =	swait.ge [sflag:s18], $0x4000  }
0x30: {  	[sflag:s18] =	ssyncset.done $0x0  }
0x31: {  	[sflag:s18] =	ssyncadd.s32 $0xFFFFC000  }
0x32: {  	[tilespmem:$0x100] =	vst v7  }
0x33: {  	[tilespmem:$0x110] =	vst v8  }
0x34: {  	[tilespmem:$0x120] =	vst v9  }
0x35: {  	[tilespmem:$0x130] =	vst v10  }
0x36: {  	[tilespmem:$0x140] =	vst v11  }
0x37: {  	[tilespmem:$0x150] =	vst v12  }
0x38: {  	[tilespmem:$0x160] =	vst v13  }
0x39: {  	[tilespmem:$0x170] =	vst v14  }
0x3a: {  	[tilespmem:s17], [sflag:$0x2] =	stream.indirect.gather [spmem:s3], $0x80, s16, s15, $0xb8;
	[tilespmem:$0x1C180] =	vst v63  }
0x3b: {  	_ =	swait.ge [sflag:s18], $0x4000  }
0x3c: {  	[sflag:s18] =	ssyncset.done $0x0  }
0x3d: {  	[sflag:s18] =	ssyncadd.s32 $0xFFFFC000  }
0x3e: {  	[hbm4b:s8+s4] =	stream.linear.scatter [tilespmem:s17], [sflag:$0x2], $0x4000, $0x38;
	[tilespmem:$0x1C180] =	vst v63  }
0x3f: {  	_ =	swait.ge [sflag:s18], $0x4000  }
0x40: {  	[sflag:s18] =	ssyncset.done $0x0  }
0x41: {  	[sflag:s18] =	ssyncadd.s32 $0xFFFFC000  }
0x42: {  	[tilespmem:$0x100] =	vst v15  }
0x43: {  	[tilespmem:$0x110] =	vst v16  }
0x44: {  	[tilespmem:$0x120] =	vst v17  }
0x45: {  	[tilespmem:$0x130] =	vst v18  }
0x46: {  	[tilespmem:$0x140] =	vst v19  }
0x47: {  	[tilespmem:$0x150] =	vst v20  }
0x48: {  	[tilespmem:$0x160] =	vst v21  }
0x49: {  	[tilespmem:$0x170] =	vst v23  }
0x4a: {  	[tilespmem:s17], [sflag:$0x2] =	stream.indirect.gather [spmem:s3], $0x80, s16, s15, $0xb8;
	[tilespmem:$0x1C180] =	vst v63  }
0x4b: {  	_ =	swait.ge [sflag:s18], $0x4000  }
0x4c: {  	[sflag:s18] =	ssyncset.done $0x0  }
0x4d: {  	[sflag:s18] =	ssyncadd.s32 $0xFFFFC000  }
0x4e: {  	[hbm4b:s9+s4] =	stream.linear.scatter [tilespmem:s17], [sflag:$0x2], $0x4000, $0x38;
	[tilespmem:$0x1C180] =	vst v63  }
0x4f: {  	_ =	swait.ge [sflag:s18], $0x4000  }
0x50: {  	[sflag:s18] =	ssyncset.done $0x0  }
0x51: {  	[sflag:s18] =	ssyncadd.s32 $0xFFFFC000  }
0x52: {  	[tilespmem:$0x100] =	vst v24  }
0x53: {  	[tilespmem:$0x110] =	vst v25  }
0x54: {  	[tilespmem:$0x120] =	vst v26  }
0x55: {  	[tilespmem:$0x130] =	vst v27  }
0x56: {  	[tilespmem:$0x140] =	vst v28  }
0x57: {  	[tilespmem:$0x150] =	vst v29  }
0x58: {  	[tilespmem:$0x160] =	vst v30  }
0x59: {  	[tilespmem:$0x170] =	vst v31  }
0x5a: {  	[tilespmem:s17], [sflag:$0x2] =	stream.indirect.gather [spmem:s3], $0x80, s16, s15, $0xb8;
	[tilespmem:$0x1C180] =	vst v63  }
0x5b: {  	_ =	swait.ge [sflag:s18], $0x4000  }
0x5c: {  	[sflag:s18] =	ssyncset.done $0x0  }
0x5d: {  	[sflag:s18] =	ssyncadd.s32 $0xFFFFC000  }
0x5e: {  	[hbm4b:s10+s4] =	stream.linear.scatter [tilespmem:s17], [sflag:$0x2], $0x4000, $0x38;
	[tilespmem:$0x1C180] =	vst v63  }
0x5f: {  	_ =	swait.ge [sflag:s18], $0x4000  }
0x60: {  	[sflag:s18] =	ssyncset.done $0x0  }
0x61: {  	[sflag:s18] =	ssyncadd.s32 $0xFFFFC000  }
0x62: {  	[tilespmem:$0x100] =	vst v32  }
0x63: {  	[tilespmem:$0x110] =	vst v33  }
0x64: {  	[tilespmem:$0x120] =	vst v34  }
0x65: {  	[tilespmem:$0x130] =	vst v35  }
0x66: {  	[tilespmem:$0x140] =	vst v36  }
0x67: {  	[tilespmem:$0x150] =	vst v37  }
0x68: {  	[tilespmem:$0x160] =	vst v38  }
0x69: {  	[tilespmem:$0x170] =	vst v39  }
0x6a: {  	[tilespmem:s17], [sflag:$0x2] =	stream.indirect.gather [spmem:s3], $0x80, s16, s15, $0xb8;
	[tilespmem:$0x1C180] =	vst v63  }
0x6b: {  	s21 =	sadd.s32 $0x1, s21;
	_ =	swait.ge [sflag:s18], $0x4000  }
0x6c: {  	p1 =	sne.s32 s21, s12;
	[sflag:s18] =	ssyncset.done $0x0  }
.Ltmp1:
0x6d: {  	[sflag:s18] =	ssyncadd.s32 $0xFFFFC000;
	(pc) =	sbr.rel @!p1 .LBB2_8-.Ltmp1, $4  }
0x6e: {  	[hbm4b:s11+s4] =	stream.linear.scatter [tilespmem:s17], [sflag:$0x2], $0x4000, $0x38;
	[tilespmem:$0x1C180] =	vst v63  }
0x6f: {  	_ =	swait.ge [sflag:s18], $0x4000  }
0x70: {  	[sflag:s18] =	ssyncset.done $0x0  }
0x71: {  	[sflag:s18] =	ssyncadd.s32 $0xFFFFC000  }
.LBB2_1:
0x72: {  	s22 =	simm.s32 $0x0;
	s23 =	simm.s32 $0x200  }
.LBB2_2:
0x73: {  	p1 =	sne.s32 s23, $0xFE00;
	[tilespmem:s22+$0x1F0] =	vst v40  }
0x74: {  	[tilespmem:s22+$0x180] =	vst v40  }
0x75: {  	[tilespmem:s22+$0x190] =	vst v40  }
.Ltmp2:
0x76: {  	[tilespmem:s22+$0x1A0] =	vst v40;
	(pc) =	sbr.rel @p1 .LBB2_2-.Ltmp2, $4  }
0x77: {  	[tilespmem:s22+$0x1B0] =	vst v40  }
0x78: {  	[tilespmem:s22+$0x1C0] =	vst v40  }
0x79: {  	[tilespmem:s22+$0x1D0] =	vst v40  }
0x7a: {  	[tilespmem:s22+$0x1E0] =	vst v40;
	s22 =	sshra.s32 s23, $0x2;
	s23 =	sadd.s32 $0x200, s23  }
0x7b: {  	[tilespmem:s22+$0x1F0] =	vst v40  }
0x7c: {  	[tilespmem:s22+$0x180] =	vst v40  }
0x7d: {  	[tilespmem:s22+$0x190] =	vst v40  }
0x7e: {  	[tilespmem:s22+$0x1A0] =	vst v40  }
0x7f: {  	[tilespmem:s22+$0x1B0] =	vst v40  }
0x80: {  	[tilespmem:s22+$0x1C0] =	vst v40  }
0x81: {  	[tilespmem:s22+$0x1D0] =	vst v40  }
0x82: {  	[tilespmem:s22+$0x1E0] =	vst v40  }
0x83: {  	[tilespmem:$0x100] =	vst v22  }
0x84: {  	[tilespmem:$0x110] =	vst v0  }
0x85: {  	[tilespmem:$0x120] =	vst v1  }
0x86: {  	[tilespmem:$0x130] =	vst v2  }
0x87: {  	[tilespmem:$0x140] =	vst v3  }
0x88: {  	[tilespmem:$0x150] =	vst v4  }
0x89: {  	[tilespmem:$0x160] =	vst v5  }
0x8a: {  	[tilespmem:$0x170] =	vst v6  }
0x8b: {  	[spmem:s3] =	stream.indirect.scatter [tilespmem:s17], [sflag:$0x2], $0x80, s16, s15, $0xb8;
	[tilespmem:$0x1C180] =	vst v63  }
0x8c: {  	_ =	swait.ge [sflag:s18], $0x4000  }
0x8d: {  	[sflag:s18] =	ssyncset.done $0x0  }
0x8e: {  	[sflag:s18] =	ssyncadd.s32 $0xFFFFC000  }
0x8f: {  	[tilespmem:$0x100] =	vst v7  }
0x90: {  	[tilespmem:$0x110] =	vst v8  }
0x91: {  	[tilespmem:$0x120] =	vst v9  }
0x92: {  	[tilespmem:$0x130] =	vst v10  }
0x93: {  	[tilespmem:$0x140] =	vst v11  }
0x94: {  	[tilespmem:$0x150] =	vst v12  }
0x95: {  	[tilespmem:$0x160] =	vst v13  }
0x96: {  	[tilespmem:$0x170] =	vst v14  }
0x97: {  	[spmem:s3] =	stream.indirect.scatter [tilespmem:s17], [sflag:$0x2], $0x80, s16, s15, $0xb8;
	[tilespmem:$0x1C180] =	vst v63  }
0x98: {  	_ =	swait.ge [sflag:s18], $0x4000  }
0x99: {  	[sflag:s18] =	ssyncset.done $0x0  }
0x9a: {  	[sflag:s18] =	ssyncadd.s32 $0xFFFFC000  }
0x9b: {  	[tilespmem:$0x100] =	vst v15  }
0x9c: {  	[tilespmem:$0x110] =	vst v16  }
0x9d: {  	[tilespmem:$0x120] =	vst v17  }
0x9e: {  	[tilespmem:$0x130] =	vst v18  }
0x9f: {  	[tilespmem:$0x140] =	vst v19  }
0xa0: {  	[tilespmem:$0x150] =	vst v20  }
0xa1: {  	[tilespmem:$0x160] =	vst v21  }
0xa2: {  	[tilespmem:$0x170] =	vst v23  }
0xa3: {  	[spmem:s3] =	stream.indirect.scatter [tilespmem:s17], [sflag:$0x2], $0x80, s16, s15, $0xb8;
	[tilespmem:$0x1C180] =	vst v63  }
0xa4: {  	_ =	swait.ge [sflag:s18], $0x4000  }
0xa5: {  	[sflag:s18] =	ssyncset.done $0x0  }
0xa6: {  	[sflag:s18] =	ssyncadd.s32 $0xFFFFC000  }
0xa7: {  	[tilespmem:$0x100] =	vst v24  }
0xa8: {  	[tilespmem:$0x110] =	vst v25  }
0xa9: {  	[tilespmem:$0x120] =	vst v26  }
0xaa: {  	[tilespmem:$0x130] =	vst v27  }
0xab: {  	[tilespmem:$0x140] =	vst v28  }
0xac: {  	[tilespmem:$0x150] =	vst v29  }
0xad: {  	[tilespmem:$0x160] =	vst v30  }
0xae: {  	[tilespmem:$0x170] =	vst v31  }
0xaf: {  	[spmem:s3] =	stream.indirect.scatter [tilespmem:s17], [sflag:$0x2], $0x80, s16, s15, $0xb8;
	[tilespmem:$0x1C180] =	vst v63  }
0xb0: {  	_ =	swait.ge [sflag:s18], $0x4000  }
0xb1: {  	[sflag:s18] =	ssyncset.done $0x0  }
0xb2: {  	[sflag:s18] =	ssyncadd.s32 $0xFFFFC000  }
0xb3: {  	[tilespmem:$0x100] =	vst v32  }
0xb4: {  	[tilespmem:$0x110] =	vst v33  }
0xb5: {  	[tilespmem:$0x120] =	vst v34  }
0xb6: {  	[tilespmem:$0x130] =	vst v35  }
0xb7: {  	[tilespmem:$0x140] =	vst v36  }
0xb8: {  	[tilespmem:$0x150] =	vst v37  }
0xb9: {  	[tilespmem:$0x160] =	vst v38  }
0xba: {  	[tilespmem:$0x170] =	vst v39  }
0xbb: {  	[spmem:s3] =	stream.indirect.scatter [tilespmem:s17], [sflag:$0x2], $0x80, s16, s15, $0xb8;
	[tilespmem:$0x1C180] =	vst v63  }
.Ltmp3:
0xbc: {  	_ =	swait.ge [sflag:s18], $0x4000;
	(pc) =	sbr.rel @p0 .LBB2_7-.Ltmp3, $3  }
0xbd: {  	[sflag:s18] =	ssyncset.done $0x0  }
0xbe: {  	[sflag:s18] =	ssyncadd.s32 $0xFFFFC000  }
0xbf: {  	[bflag:$0x0] =	sbarrier.arrive $0xFFFF;
	_ =	sdelay $0x1  }
0xc0: {  	[tilespmem:s4], [sflag:$0x2] =	stream.linear.gather [hbm4b:s14+s4], $0x100, $0x38;
	[tilespmem:$0x1C180] =	vst v63  }
0xc1: {  	_ =	swait.ge [sflag:s18], $0x100  }
0xc2: {  	[sflag:s18] =	ssyncset.done $0x0  }
0xc3: {  	[sflag:s18] =	ssyncadd.s32 $0xFFFFFF00  }
0xc4: {  	[tilespmem:s17], [sflag:$0x1] =	stream.indirect.gather [hbm4b:s1+s15], $0x80, s4, s15, $0xb8;
	[tilespmem:$0x1C180] =	vst v63  }
0xc5: {  	_ = 	snop  }
0xc6: {  	[tilespmem:s19], [sflag:$0x1] =	stream.linear.gather [hbm4b:s13+s4], $0x4000, $0x38;
	[tilespmem:$0x1C180] =	vst v63  }
0xc7: {  	_ =	swait.ge [sflag:s20], $0x4000  }
0xc8: {  	[sflag:s20] =	ssyncset.done $0x0  }
0xc9: {  	[sflag:s20] =	ssyncadd.s32 $0xFFFFC000  }
0xca: {  	_ =	swait.ge [sflag:s20], $0x4000  }
0xcb: {  	[sflag:s20] =	ssyncset.done $0x0  }
0xcc: {  	s22 =	sadd.s32 $0x1, s5;
	[sflag:s20] =	ssyncadd.s32 $0xFFFFC000  }
0xcd: {  	[spmem:s3] =	stream.indirect.scatter.add.f32 [tilespmem:s17], [sflag:$0x2], $0x80, s15, s15, $0xb8;
	[tilespmem:$0x1C180] =	vst v63  }
0xce: {  	p1 =	slt.u32 s22, s6;
	_ =	swait.ge [sflag:s18], $0x4000  }
.Ltmp4:
0xcf: {  	[sflag:s18] =	ssyncset.done $0x0;
	(pc) =	sbr.rel @!p1 .LBB2_6-.Ltmp4, $4  }
0xd0: {  	[sflag:s18] =	ssyncadd.s32 $0xFFFFC000  }
0xd1: {  	[spmem:s3] =	stream.indirect.scatter.add.f32 [tilespmem:s19], [sflag:$0x2], $0x80, s15, s15, $0xb8;
	[tilespmem:$0x1C180] =	vst v63  }
0xd2: {  	_ =	swait.ge [sflag:s18], $0x4000  }
0xd3: {  	s23 =	sadd.s32 $0x20, s14;
	s24 =	smov.u32 s13;
	[sflag:s18] =	ssyncset.done $0x0  }
.LBB2_5:
0xd4: {  	s22 =	sadd.s32 $0x1, s22;
	[sflag:s18] =	ssyncadd.s32 $0xFFFFC000;
	s24 =	sadd.s32 $0x800, s24  }
0xd5: {  	[tilespmem:s4], [sflag:$0x2] =	stream.linear.gather [hbm4b:s23+s4], $0x100, $0x38;
	[tilespmem:$0x1C180] =	vst v63  }
0xd6: {  	p1 =	slt.u32 s22, s6;
	_ =	swait.ge [sflag:s18], $0x100  }
0xd7: {  	[sflag:s18] =	ssyncset.done $0x0  }
0xd8: {  	[sflag:s18] =	ssyncadd.s32 $0xFFFFFF00  }
0xd9: {  	[tilespmem:s17], [sflag:$0x1] =	stream.indirect.gather [hbm4b:s1+s15], $0x80, s4, s15, $0xb8;
	[tilespmem:$0x1C180] =	vst v63  }
0xda: {  	_ = 	snop  }
0xdb: {  	[tilespmem:s19], [sflag:$0x1] =	stream.linear.gather [hbm4b:s24+s4], $0x4000, $0x38;
	[tilespmem:$0x1C180] =	vst v63  }
0xdc: {  	_ =	swait.ge [sflag:s20], $0x4000  }
0xdd: {  	[sflag:s20] =	ssyncset.done $0x0  }
0xde: {  	[sflag:s20] =	ssyncadd.s32 $0xFFFFC000  }
0xdf: {  	_ =	swait.ge [sflag:s20], $0x4000  }
0xe0: {  	[sflag:s20] =	ssyncset.done $0x0  }
0xe1: {  	[sflag:s20] =	ssyncadd.s32 $0xFFFFC000  }
0xe2: {  	[spmem:s3] =	stream.indirect.scatter.add.f32 [tilespmem:s17], [sflag:$0x2], $0x80, s15, s15, $0xb8;
	[tilespmem:$0x1C180] =	vst v63  }
0xe3: {  	_ =	swait.ge [sflag:s18], $0x4000  }
.Ltmp5:
0xe4: {  	[sflag:s18] =	ssyncset.done $0x0;
	(pc) =	sbr.rel @p1 .LBB2_5-.Ltmp5, $4  }
0xe5: {  	[sflag:s18] =	ssyncadd.s32 $0xFFFFC000  }
0xe6: {  	[spmem:s3] =	stream.indirect.scatter.add.f32 [tilespmem:s19], [sflag:$0x2], $0x80, s15, s15, $0xb8;
	[tilespmem:$0x1C180] =	vst v63  }
0xe7: {  	_ =	swait.ge [sflag:s18], $0x4000  }
0xe8: {  	s23 =	sadd.s32 $0x20, s23;
	[sflag:s18] =	ssyncset.done $0x0  }
.Ltmp6:
0xe9: {  	_ = 	snop;
	(pc) =	sbr.rel .LBB2_6-.Ltmp6, $1  }
0xea: {  	_ =	sdelay $0x3  }
.LBB2_8:
0xeb: {  	_ =	sfence.sel $0x180000  }
0xec: {  	[bflag:$0x0] =	sbarrier.arrive $0xFFFF  }
0xed: {  	_ =	strace $0x90000047  }
0xee: {  	s0 =	stileid.u32;
	[bflag:$0x2] =	sbarrier.arrive $0xFFFF  }
0xef: {  	p0 =	sne.s32 s0, $0x0;
	s0 =	rddreg [dreg:$0x4]  }
0xf0: {  	s0 =	sadd.s32 @!p0 $0x100000, s0  }
0xf1: {  	[sflag:s0] =	ssyncadd.tile.s32 @!p0 $0x1;
	_ =	shalt  }
.Lfunc_end2:
_tile_overlayer_lowered:
.L_overlay_start_2:
0xf2: {  	(tag) =	ssettag $0x2  }
0xf3: {  	s0 =	rddreg [dreg:$0x0];
	s2 =	stileid.u32  }
0xf4: {  	s1 =	rddreg [dreg:$0x1];
	p0 =	sne.s32 s2, $0x0  }
0xf5: {  	s3 =	rddreg [dreg:$0x2];
	[bflag:$0x3] =	sbarrier.arrive $0xFFFF;
	s2 =	simm.s32 @!p0 $0x1C02  }
0xf6: {  	[timem:s3], [sflag:s2] =	dma.local @!p0 [hbm:s0], s1  }
0xf7: {  	s0 =	simm.s32 @!p0 $0x2  }
0xf8: {  	_ =	swait.ge @!p0 [sflag:s0], s1  }
0xf9: {  	s1 =	ssub.s32 @!p0 $0x0, s1;
	[sflag:s0] =	ssyncset.done @!p0 $0x0  }
0xfa: {  	[sflag:s0] =	ssyncadd.s32 @!p0 s1  }
0xfb: {  	[bflag:$0x3] =	sbarrier.arrive $0xFFFF  }
0xfc: {  	_ =	shalt  }

</sc_bundles>
